<compile_context>
chip_gen: v7x
topology: tpu7x:2x2x1
jax: 0.10.2.dev20260603
libtpu: 0.0.44.dev20260713+nightly
codegen_flags: <defaults>
</compile_context>

<pallas_src>
import functools

import jax
import jax.numpy as jnp
from jax import lax
from jax.experimental import pallas as pl
from jax.experimental.pallas import tpu as pltpu
from jax.experimental.pallas import tpu_sc as plsc

HIDDEN = 128
NUM_WORKERS = 32
NBUF = 6


def kernel(input_ids, weight):
    B, S = input_ids.shape
    bpw = B // NUM_WORKERS
    idx_t = input_ids.astype(jnp.int32).T

    mesh = plsc.VectorSubcoreMesh(core_axis_name="c", subcore_axis_name="s")

    @functools.partial(
        pl.kernel,
        mesh=mesh,
        out_type=jax.ShapeDtypeStruct((S, B, HIDDEN), jnp.float32),
        compiler_params=pltpu.CompilerParams(use_tc_tiling_on_sc=True),
        scratch_types=[
            pltpu.VMEM((S, bpw), jnp.int32),
            pltpu.VMEM((NBUF, bpw, HIDDEN), jnp.float32),
            [pltpu.SemaphoreType.DMA] * NBUF,
            [pltpu.SemaphoreType.DMA] * NBUF,
            pltpu.SemaphoreType.DMA,
        ],
    )
    def emb(table_hbm, idx_hbm, out_hbm, idx_v, rows_v, sem_in, sem_out,
            sem_idx):
        wid = lax.axis_index("s") * 2 + lax.axis_index("c")
        base = wid * bpw

        head = 8
        pltpu.sync_copy(idx_hbm.at[pl.ds(0, head), pl.ds(base, bpw)],
                        idx_v.at[pl.ds(0, head)])
        rest = pltpu.make_async_copy(
            idx_hbm.at[pl.ds(head, S - head), pl.ds(base, bpw)],
            idx_v.at[pl.ds(head, S - head)], sem_idx)
        rest.start()

        def start_gather(s, b):
            pltpu.make_async_copy(
                table_hbm.at[idx_v.at[s]], rows_v.at[b], sem_in[b]).start()

        def wait_gather(b):
            pltpu.make_async_copy(
                table_hbm.at[idx_v.at[0]], rows_v.at[b], sem_in[b]).wait()

        def start_write(s, b):
            pltpu.make_async_copy(
                rows_v.at[b], out_hbm.at[s, pl.ds(base, bpw)],
                sem_out[b]).start()

        def wait_write(b):
            pltpu.make_async_copy(
                rows_v.at[b], out_hbm.at[0, pl.ds(base, bpw)],
                sem_out[b]).wait()

        for s0 in (0, 1, 2, 3):
            start_gather(s0, s0)
        for s0 in (0, 1):
            start_gather(s0 + 4, s0 + 4)
            wait_gather(s0)
            start_write(s0, s0)
        rest.wait()

        def step(s, b):
            nb = (b + 4) % NBUF
            wait_write(nb)
            start_gather(s + 4, nb)
            wait_gather(b)
            start_write(s, b)

        def body(k, carry):
            for off in range(NBUF):
                s = NBUF * k + 2 + off
                step(s, (2 + off) % NBUF)
            return carry

        lax.fori_loop(0, (S - 8) // NBUF, body, 0)
        step(S - 6, (S - 6) % NBUF)
        step(S - 5, (S - 5) % NBUF)

        for st in (S - 4, S - 3, S - 2, S - 1):
            wait_gather(st % NBUF)
            start_write(st, st % NBUF)
        for b in range(NBUF):
            wait_write(b)

    out = emb(weight, idx_t)
    return out.transpose(1, 0, 2)

# --- scband reference (transcript-rebuilt; emitter-appended) ---
"""Pipeline reference for scband-token-embedding-88545045774954 (READ-ONLY COPY).

The authoritative reference and input builder live on the scoring server;
editing this copy changes nothing except your own understanding.
"""

import jax, jax.numpy as jnp
import numpy as np

VOCAB_SIZE = 100000
HIDDEN_SIZE = 128
INIT_RANGE = 0.02

def setup_inputs(seed: int = 0) -> dict:
    key = jax.random.key(seed)
    k_idx, k_w = jax.random.split(key)
    input_ids = jax.random.randint(k_idx, (4096, 50), 0, VOCAB_SIZE, dtype=jnp.int64 if jax.config.jax_enable_x64 else jnp.int32)
    weight = jax.random.normal(k_w, (VOCAB_SIZE, HIDDEN_SIZE), dtype=jnp.float32) * INIT_RANGE
    return {"input_ids": input_ids, "weight": weight}

def reference(input_ids, weight):
    # nn.Embedding forward: gather rows of the table by index
    return jnp.take(weight, input_ids, axis=0)

if __name__ == "__main__":
    import jax
    _d = setup_inputs()
    print(jax.jit(kernel)(*tuple(_d.values())))

</pallas_src>

<mosaic_0001>
#map = affine_map<(d0, d1) -> (0, 0)>
#map1 = affine_map<(d0, d1) -> (0, 0, 0)>
module attributes {stable_mosaic.version = 14 : i64} {
  func.func @emb(%arg0: i32, %arg1: i32, %arg2: memref<100000x128xf32, #tpu.memory_space<hbm>>, %arg3: memref<50x4096xi32, #tpu.memory_space<hbm>>, %arg4: memref<50x4096x128xf32, #tpu.memory_space<hbm>>, %arg5: memref<50x128xi32, #tpu.memory_space<vmem>>, %arg6: memref<6x128x128xf32, #tpu.memory_space<vmem>>, %arg7: memref<!tpu.dma_semaphore, #tpu.memory_space<semaphore_mem>>, %arg8: memref<!tpu.dma_semaphore, #tpu.memory_space<semaphore_mem>>, %arg9: memref<!tpu.dma_semaphore, #tpu.memory_space<semaphore_mem>>, %arg10: memref<!tpu.dma_semaphore, #tpu.memory_space<semaphore_mem>>, %arg11: memref<!tpu.dma_semaphore, #tpu.memory_space<semaphore_mem>>, %arg12: memref<!tpu.dma_semaphore, #tpu.memory_space<semaphore_mem>>, %arg13: memref<!tpu.dma_semaphore, #tpu.memory_space<semaphore_mem>>, %arg14: memref<!tpu.dma_semaphore, #tpu.memory_space<semaphore_mem>>, %arg15: memref<!tpu.dma_semaphore, #tpu.memory_space<semaphore_mem>>, %arg16: memref<!tpu.dma_semaphore, #tpu.memory_space<semaphore_mem>>, %arg17: memref<!tpu.dma_semaphore, #tpu.memory_space<semaphore_mem>>, %arg18: memref<!tpu.dma_semaphore, #tpu.memory_space<semaphore_mem>>, %arg19: memref<!tpu.dma_semaphore, #tpu.memory_space<semaphore_mem>>) attributes {dimension_semantics = [#tpu.dimension_semantics<core_parallel>, #tpu.dimension_semantics<subcore_parallel>], iteration_bounds = array<i64: 2, 16>, scalar_prefetch = 0 : i64, scratch_operands = 15 : i64, tpu.core_type = #tpu.core_type<sc_vector_subcore>, window_params = [{transform_indices = #map}, {transform_indices = #map}, {transform_indices = #map1}]} {
    %mul3A = arith.constant 2 : i32
    %mul3A_0 = arith.muli %arg1, %mul3A : i32
    %add3A = arith.addi %mul3A_0, %arg0 : i32
    %mul3A_1 = arith.constant 128 : i32
    %mul3A_2 = arith.muli %add3A, %mul3A_1 : i32
    "tpu.region"() ({
      %run_scoped3A = tpu.sem_alloc : memref<!tpu.dma_semaphore, #tpu.memory_space<semaphore_mem>>
      %dma_start3A_474 = arith.constant 0 : i32
      %dma_start3A_475 = arith.constant 0 : i32
      %dma_start3A_476 = tpu.memref_slice %arg5[%dma_start3A_474, %dma_start3A_475] : memref<50x128xi32, #tpu.memory_space<vmem>> -> memref<8x128xi32, #tpu.memory_space<vmem>>
      %dma_start3A_477 = arith.constant 0 : i32
      %dma_start3A_478 = tpu.memref_slice %arg3[%dma_start3A_477, %mul3A_2] : memref<50x4096xi32, #tpu.memory_space<hbm>> -> memref<8x128xi32, #tpu.memory_space<hbm>>
      %dma_start3A_479 = arith.constant 0 : i32
      %dma_start3A_480 = arith.constant 0 : i32
      %dma_start3A_481 = tpu.memref_slice %arg5[%dma_start3A_479, %dma_start3A_480] : memref<50x128xi32, #tpu.memory_space<vmem>> -> memref<8x128xi32, #tpu.memory_space<vmem>>
      %dma_start3A_482 = arith.constant 0 : i32
      %dma_start3A_483 = tpu.memref_slice %arg3[%dma_start3A_482, %mul3A_2] : memref<50x4096xi32, #tpu.memory_space<hbm>> -> memref<8x128xi32, #tpu.memory_space<hbm>>
      tpu.enqueue_dma source(%dma_start3A_483 : memref<8x128xi32, #tpu.memory_space<hbm>>) target(%dma_start3A_481 : memref<8x128xi32, #tpu.memory_space<vmem>>) target_semaphore(%run_scoped3A : memref<!tpu.dma_semaphore, #tpu.memory_space<semaphore_mem>>)
      %dma_wait3A_484 = arith.constant 0 : i32
      %dma_wait3A_485 = arith.constant 0 : i32
      %dma_wait3A_486 = tpu.memref_slice %arg5[%dma_wait3A_484, %dma_wait3A_485] : memref<50x128xi32, #tpu.memory_space<vmem>> -> memref<8x128xi32, #tpu.memory_space<vmem>>
      %dma_wait3A_487 = arith.constant 0 : i32
      %dma_wait3A_488 = tpu.memref_slice %arg3[%dma_wait3A_487, %mul3A_2] : memref<50x4096xi32, #tpu.memory_space<hbm>> -> memref<8x128xi32, #tpu.memory_space<hbm>>
      %dma_wait3A_489 = arith.constant 0 : i32
      %dma_wait3A_490 = arith.constant 0 : i32
      %dma_wait3A_491 = tpu.memref_slice %arg5[%dma_wait3A_489, %dma_wait3A_490] : memref<50x128xi32, #tpu.memory_space<vmem>> -> memref<8x128xi32, #tpu.memory_space<vmem>>
      %dma_wait3A_492 = arith.constant 0 : i32
      %dma_wait3A_493 = tpu.memref_slice %arg3[%dma_wait3A_492, %mul3A_2] : memref<50x4096xi32, #tpu.memory_space<hbm>> -> memref<8x128xi32, #tpu.memory_space<hbm>>
      tpu.wait_dma2 semaphore(%run_scoped3A : memref<!tpu.dma_semaphore, #tpu.memory_space<semaphore_mem>>) src(%dma_wait3A_493 : memref<8x128xi32, #tpu.memory_space<hbm>>) dst(%dma_wait3A_491 : memref<8x128xi32, #tpu.memory_space<vmem>>)
      tpu.yield
    }) : () -> ()
    %dma_start3A = arith.constant 8 : i32
    %dma_start3A_3 = arith.constant 0 : i32
    %dma_start3A_4 = tpu.memref_slice %arg5[%dma_start3A, %dma_start3A_3] : memref<50x128xi32, #tpu.memory_space<vmem>> -> memref<42x128xi32, #tpu.memory_space<vmem>>
    %dma_start3A_5 = arith.constant 8 : i32
    %dma_start3A_6 = tpu.memref_slice %arg3[%dma_start3A_5, %mul3A_2] : memref<50x4096xi32, #tpu.memory_space<hbm>> -> memref<42x128xi32, #tpu.memory_space<hbm>>
    %dma_start3A_7 = arith.constant 8 : i32
    %dma_start3A_8 = arith.constant 0 : i32
    %dma_start3A_9 = tpu.memref_slice %arg5[%dma_start3A_7, %dma_start3A_8] : memref<50x128xi32, #tpu.memory_space<vmem>> -> memref<42x128xi32, #tpu.memory_space<vmem>>
    %dma_start3A_10 = arith.constant 8 : i32
    %dma_start3A_11 = tpu.memref_slice %arg3[%dma_start3A_10, %mul3A_2] : memref<50x4096xi32, #tpu.memory_space<hbm>> -> memref<42x128xi32, #tpu.memory_space<hbm>>
    tpu.enqueue_dma source(%dma_start3A_11 : memref<42x128xi32, #tpu.memory_space<hbm>>) target(%dma_start3A_9 : memref<42x128xi32, #tpu.memory_space<vmem>>) target_semaphore(%arg19 : memref<!tpu.dma_semaphore, #tpu.memory_space<semaphore_mem>>)
    %dma_start3A_12 = arith.constant 0 : i32
    %dma_start3A_13 = arith.constant 0 : i32
    %dma_start3A_14 = arith.constant 0 : i32
    %dma_start3A_15 = arith.constant 0 : i32
    %dma_start3A_16 = tpu.memref_slice %arg6[%dma_start3A_13, %dma_start3A_14, %dma_start3A_15] : memref<6x128x128xf32, #tpu.memory_space<vmem>> -> memref<1x128x128xf32, #tpu.memory_space<vmem>>
    %dma_start3A_17 = tpu.memref_squeeze %dma_start3A_16 : memref<1x128x128xf32, #tpu.memory_space<vmem>> -> memref<128x128xf32, #tpu.memory_space<vmem>>
    %dma_start3A_18 = arith.constant 0 : i32
    %dma_start3A_19 = tpu.memref_slice %arg5[%dma_start3A_12, %dma_start3A_18] : memref<50x128xi32, #tpu.memory_space<vmem>> -> memref<1x128xi32, #tpu.memory_space<vmem>>
    %dma_start3A_20 = tpu.memref_squeeze %dma_start3A_19 : memref<1x128xi32, #tpu.memory_space<vmem>> -> memref<128xi32, #tpu.memory_space<vmem>>
    %dma_start3A_21 = arith.constant 0 : i32
    %dma_start3A_22 = arith.constant 0 : i32
    %dma_start3A_23 = tpu.memref_slice %arg2[%dma_start3A_21, %dma_start3A_22] : memref<100000x128xf32, #tpu.memory_space<hbm>> -> memref<100000x128xf32, #tpu.memory_space<hbm>>
    tpu.enqueue_indirect_dma source(%dma_start3A_23 : memref<100000x128xf32, #tpu.memory_space<hbm>>) target(%dma_start3A_17 : memref<128x128xf32, #tpu.memory_space<vmem>>) offsets(%dma_start3A_20 : memref<128xi32, #tpu.memory_space<vmem>>) semaphore(%arg7 : memref<!tpu.dma_semaphore, #tpu.memory_space<semaphore_mem>>)
    %dma_start3A_24 = arith.constant 1 : i32
    %dma_start3A_25 = arith.constant 1 : i32
    %dma_start3A_26 = arith.constant 0 : i32
    %dma_start3A_27 = arith.constant 0 : i32
    %dma_start3A_28 = tpu.memref_slice %arg6[%dma_start3A_25, %dma_start3A_26, %dma_start3A_27] : memref<6x128x128xf32, #tpu.memory_space<vmem>> -> memref<1x128x128xf32, #tpu.memory_space<vmem>>
    %dma_start3A_29 = tpu.memref_squeeze %dma_start3A_28 : memref<1x128x128xf32, #tpu.memory_space<vmem>> -> memref<128x128xf32, #tpu.memory_space<vmem>>
    %dma_start3A_30 = arith.constant 0 : i32
    %dma_start3A_31 = tpu.memref_slice %arg5[%dma_start3A_24, %dma_start3A_30] : memref<50x128xi32, #tpu.memory_space<vmem>> -> memref<1x128xi32, #tpu.memory_space<vmem>>
    %dma_start3A_32 = tpu.memref_squeeze %dma_start3A_31 : memref<1x128xi32, #tpu.memory_space<vmem>> -> memref<128xi32, #tpu.memory_space<vmem>>
    %dma_start3A_33 = arith.constant 0 : i32
    %dma_start3A_34 = arith.constant 0 : i32
    %dma_start3A_35 = tpu.memref_slice %arg2[%dma_start3A_33, %dma_start3A_34] : memref<100000x128xf32, #tpu.memory_space<hbm>> -> memref<100000x128xf32, #tpu.memory_space<hbm>>
    tpu.enqueue_indirect_dma source(%dma_start3A_35 : memref<100000x128xf32, #tpu.memory_space<hbm>>) target(%dma_start3A_29 : memref<128x128xf32, #tpu.memory_space<vmem>>) offsets(%dma_start3A_32 : memref<128xi32, #tpu.memory_space<vmem>>) semaphore(%arg8 : memref<!tpu.dma_semaphore, #tpu.memory_space<semaphore_mem>>)
    %dma_start3A_36 = arith.constant 2 : i32
    %dma_start3A_37 = arith.constant 2 : i32
    %dma_start3A_38 = arith.constant 0 : i32
    %dma_start3A_39 = arith.constant 0 : i32
    %dma_start3A_40 = tpu.memref_slice %arg6[%dma_start3A_37, %dma_start3A_38, %dma_start3A_39] : memref<6x128x128xf32, #tpu.memory_space<vmem>> -> memref<1x128x128xf32, #tpu.memory_space<vmem>>
    %dma_start3A_41 = tpu.memref_squeeze %dma_start3A_40 : memref<1x128x128xf32, #tpu.memory_space<vmem>> -> memref<128x128xf32, #tpu.memory_space<vmem>>
    %dma_start3A_42 = arith.constant 0 : i32
    %dma_start3A_43 = tpu.memref_slice %arg5[%dma_start3A_36, %dma_start3A_42] : memref<50x128xi32, #tpu.memory_space<vmem>> -> memref<1x128xi32, #tpu.memory_space<vmem>>
    %dma_start3A_44 = tpu.memref_squeeze %dma_start3A_43 : memref<1x128xi32, #tpu.memory_space<vmem>> -> memref<128xi32, #tpu.memory_space<vmem>>
    %dma_start3A_45 = arith.constant 0 : i32
    %dma_start3A_46 = arith.constant 0 : i32
    %dma_start3A_47 = tpu.memref_slice %arg2[%dma_start3A_45, %dma_start3A_46] : memref<100000x128xf32, #tpu.memory_space<hbm>> -> memref<100000x128xf32, #tpu.memory_space<hbm>>
    tpu.enqueue_indirect_dma source(%dma_start3A_47 : memref<100000x128xf32, #tpu.memory_space<hbm>>) target(%dma_start3A_41 : memref<128x128xf32, #tpu.memory_space<vmem>>) offsets(%dma_start3A_44 : memref<128xi32, #tpu.memory_space<vmem>>) semaphore(%arg9 : memref<!tpu.dma_semaphore, #tpu.memory_space<semaphore_mem>>)
    %dma_start3A_48 = arith.constant 3 : i32
    %dma_start3A_49 = arith.constant 3 : i32
    %dma_start3A_50 = arith.constant 0 : i32
    %dma_start3A_51 = arith.constant 0 : i32
    %dma_start3A_52 = tpu.memref_slice %arg6[%dma_start3A_49, %dma_start3A_50, %dma_start3A_51] : memref<6x128x128xf32, #tpu.memory_space<vmem>> -> memref<1x128x128xf32, #tpu.memory_space<vmem>>
    %dma_start3A_53 = tpu.memref_squeeze %dma_start3A_52 : memref<1x128x128xf32, #tpu.memory_space<vmem>> -> memref<128x128xf32, #tpu.memory_space<vmem>>
    %dma_start3A_54 = arith.constant 0 : i32
    %dma_start3A_55 = tpu.memref_slice %arg5[%dma_start3A_48, %dma_start3A_54] : memref<50x128xi32, #tpu.memory_space<vmem>> -> memref<1x128xi32, #tpu.memory_space<vmem>>
    %dma_start3A_56 = tpu.memref_squeeze %dma_start3A_55 : memref<1x128xi32, #tpu.memory_space<vmem>> -> memref<128xi32, #tpu.memory_space<vmem>>
    %dma_start3A_57 = arith.constant 0 : i32
    %dma_start3A_58 = arith.constant 0 : i32
    %dma_start3A_59 = tpu.memref_slice %arg2[%dma_start3A_57, %dma_start3A_58] : memref<100000x128xf32, #tpu.memory_space<hbm>> -> memref<100000x128xf32, #tpu.memory_space<hbm>>
    tpu.enqueue_indirect_dma source(%dma_start3A_59 : memref<100000x128xf32, #tpu.memory_space<hbm>>) target(%dma_start3A_53 : memref<128x128xf32, #tpu.memory_space<vmem>>) offsets(%dma_start3A_56 : memref<128xi32, #tpu.memory_space<vmem>>) semaphore(%arg10 : memref<!tpu.dma_semaphore, #tpu.memory_space<semaphore_mem>>)
    %dma_start3A_60 = arith.constant 4 : i32
    %dma_start3A_61 = arith.constant 4 : i32
    %dma_start3A_62 = arith.constant 0 : i32
    %dma_start3A_63 = arith.constant 0 : i32
    %dma_start3A_64 = tpu.memref_slice %arg6[%dma_start3A_61, %dma_start3A_62, %dma_start3A_63] : memref<6x128x128xf32, #tpu.memory_space<vmem>> -> memref<1x128x128xf32, #tpu.memory_space<vmem>>
    %dma_start3A_65 = tpu.memref_squeeze %dma_start3A_64 : memref<1x128x128xf32, #tpu.memory_space<vmem>> -> memref<128x128xf32, #tpu.memory_space<vmem>>
    %dma_start3A_66 = arith.constant 0 : i32
    %dma_start3A_67 = tpu.memref_slice %arg5[%dma_start3A_60, %dma_start3A_66] : memref<50x128xi32, #tpu.memory_space<vmem>> -> memref<1x128xi32, #tpu.memory_space<vmem>>
    %dma_start3A_68 = tpu.memref_squeeze %dma_start3A_67 : memref<1x128xi32, #tpu.memory_space<vmem>> -> memref<128xi32, #tpu.memory_space<vmem>>
    %dma_start3A_69 = arith.constant 0 : i32
    %dma_start3A_70 = arith.constant 0 : i32
    %dma_start3A_71 = tpu.memref_slice %arg2[%dma_start3A_69, %dma_start3A_70] : memref<100000x128xf32, #tpu.memory_space<hbm>> -> memref<100000x128xf32, #tpu.memory_space<hbm>>
    tpu.enqueue_indirect_dma source(%dma_start3A_71 : memref<100000x128xf32, #tpu.memory_space<hbm>>) target(%dma_start3A_65 : memref<128x128xf32, #tpu.memory_space<vmem>>) offsets(%dma_start3A_68 : memref<128xi32, #tpu.memory_space<vmem>>) semaphore(%arg11 : memref<!tpu.dma_semaphore, #tpu.memory_space<semaphore_mem>>)
    %dma_wait3A = arith.constant 0 : i32
    %dma_wait3A_72 = arith.constant 0 : i32
    %dma_wait3A_73 = arith.constant 0 : i32
    %dma_wait3A_74 = arith.constant 0 : i32
    %dma_wait3A_75 = tpu.memref_slice %arg6[%dma_wait3A_72, %dma_wait3A_73, %dma_wait3A_74] : memref<6x128x128xf32, #tpu.memory_space<vmem>> -> memref<1x128x128xf32, #tpu.memory_space<vmem>>
    %dma_wait3A_76 = tpu.memref_squeeze %dma_wait3A_75 : memref<1x128x128xf32, #tpu.memory_space<vmem>> -> memref<128x128xf32, #tpu.memory_space<vmem>>
    %dma_wait3A_77 = arith.constant 0 : i32
    %dma_wait3A_78 = tpu.memref_slice %arg5[%dma_wait3A, %dma_wait3A_77] : memref<50x128xi32, #tpu.memory_space<vmem>> -> memref<1x128xi32, #tpu.memory_space<vmem>>
    %dma_wait3A_79 = tpu.memref_squeeze %dma_wait3A_78 : memref<1x128xi32, #tpu.memory_space<vmem>> -> memref<128xi32, #tpu.memory_space<vmem>>
    %dma_wait3A_80 = arith.constant 0 : i32
    %dma_wait3A_81 = arith.constant 0 : i32
    %dma_wait3A_82 = tpu.memref_slice %arg2[%dma_wait3A_80, %dma_wait3A_81] : memref<100000x128xf32, #tpu.memory_space<hbm>> -> memref<100000x128xf32, #tpu.memory_space<hbm>>
    tpu.wait_indirect_dma semaphore(%arg7 : memref<!tpu.dma_semaphore, #tpu.memory_space<semaphore_mem>>) src(%dma_wait3A_82 : memref<100000x128xf32, #tpu.memory_space<hbm>>) dst(%dma_wait3A_76 : memref<128x128xf32, #tpu.memory_space<vmem>>)
    %dma_start3A_83 = arith.constant 0 : i32
    %dma_start3A_84 = arith.constant 0 : i32
    %dma_start3A_85 = arith.constant 0 : i32
    %dma_start3A_86 = arith.constant 0 : i32
    %dma_start3A_87 = tpu.memref_slice %arg6[%dma_start3A_83, %dma_start3A_85, %dma_start3A_86] : memref<6x128x128xf32, #tpu.memory_space<vmem>> -> memref<1x128x128xf32, #tpu.memory_space<vmem>>
    %dma_start3A_88 = tpu.memref_squeeze %dma_start3A_87 : memref<1x128x128xf32, #tpu.memory_space<vmem>> -> memref<128x128xf32, #tpu.memory_space<vmem>>
    %dma_start3A_89 = arith.constant 0 : i32
    %dma_start3A_90 = tpu.memref_slice %arg4[%dma_start3A_84, %mul3A_2, %dma_start3A_89] : memref<50x4096x128xf32, #tpu.memory_space<hbm>> -> memref<1x128x128xf32, #tpu.memory_space<hbm>>
    %dma_start3A_91 = tpu.memref_squeeze %dma_start3A_90 : memref<1x128x128xf32, #tpu.memory_space<hbm>> -> memref<128x128xf32, #tpu.memory_space<hbm>>
    %dma_start3A_92 = arith.constant 0 : i32
    %dma_start3A_93 = tpu.memref_slice %arg4[%dma_start3A_84, %mul3A_2, %dma_start3A_92] : memref<50x4096x128xf32, #tpu.memory_space<hbm>> -> memref<1x128x128xf32, #tpu.memory_space<hbm>>
    %dma_start3A_94 = tpu.memref_squeeze %dma_start3A_93 : memref<1x128x128xf32, #tpu.memory_space<hbm>> -> memref<128x128xf32, #tpu.memory_space<hbm>>
    %dma_start3A_95 = arith.constant 0 : i32
    %dma_start3A_96 = arith.constant 0 : i32
    %dma_start3A_97 = tpu.memref_slice %arg6[%dma_start3A_83, %dma_start3A_95, %dma_start3A_96] : memref<6x128x128xf32, #tpu.memory_space<vmem>> -> memref<1x128x128xf32, #tpu.memory_space<vmem>>
    %dma_start3A_98 = tpu.memref_squeeze %dma_start3A_97 : memref<1x128x128xf32, #tpu.memory_space<vmem>> -> memref<128x128xf32, #tpu.memory_space<vmem>>
    tpu.enqueue_dma source(%dma_start3A_98 : memref<128x128xf32, #tpu.memory_space<vmem>>) target(%dma_start3A_94 : memref<128x128xf32, #tpu.memory_space<hbm>>) target_semaphore(%arg13 : memref<!tpu.dma_semaphore, #tpu.memory_space<semaphore_mem>>)
    %dma_start3A_99 = arith.constant 5 : i32
    %dma_start3A_100 = arith.constant 5 : i32
    %dma_start3A_101 = arith.constant 0 : i32
    %dma_start3A_102 = arith.constant 0 : i32
    %dma_start3A_103 = tpu.memref_slice %arg6[%dma_start3A_100, %dma_start3A_101, %dma_start3A_102] : memref<6x128x128xf32, #tpu.memory_space<vmem>> -> memref<1x128x128xf32, #tpu.memory_space<vmem>>
    %dma_start3A_104 = tpu.memref_squeeze %dma_start3A_103 : memref<1x128x128xf32, #tpu.memory_space<vmem>> -> memref<128x128xf32, #tpu.memory_space<vmem>>
    %dma_start3A_105 = arith.constant 0 : i32
    %dma_start3A_106 = tpu.memref_slice %arg5[%dma_start3A_99, %dma_start3A_105] : memref<50x128xi32, #tpu.memory_space<vmem>> -> memref<1x128xi32, #tpu.memory_space<vmem>>
    %dma_start3A_107 = tpu.memref_squeeze %dma_start3A_106 : memref<1x128xi32, #tpu.memory_space<vmem>> -> memref<128xi32, #tpu.memory_space<vmem>>
    %dma_start3A_108 = arith.constant 0 : i32
    %dma_start3A_109 = arith.constant 0 : i32
    %dma_start3A_110 = tpu.memref_slice %arg2[%dma_start3A_108, %dma_start3A_109] : memref<100000x128xf32, #tpu.memory_space<hbm>> -> memref<100000x128xf32, #tpu.memory_space<hbm>>
    tpu.enqueue_indirect_dma source(%dma_start3A_110 : memref<100000x128xf32, #tpu.memory_space<hbm>>) target(%dma_start3A_104 : memref<128x128xf32, #tpu.memory_space<vmem>>) offsets(%dma_start3A_107 : memref<128xi32, #tpu.memory_space<vmem>>) semaphore(%arg12 : memref<!tpu.dma_semaphore, #tpu.memory_space<semaphore_mem>>)
    %dma_wait3A_111 = arith.constant 0 : i32
    %dma_wait3A_112 = arith.constant 1 : i32
    %dma_wait3A_113 = arith.constant 0 : i32
    %dma_wait3A_114 = arith.constant 0 : i32
    %dma_wait3A_115 = tpu.memref_slice %arg6[%dma_wait3A_112, %dma_wait3A_113, %dma_wait3A_114] : memref<6x128x128xf32, #tpu.memory_space<vmem>> -> memref<1x128x128xf32, #tpu.memory_space<vmem>>
    %dma_wait3A_116 = tpu.memref_squeeze %dma_wait3A_115 : memref<1x128x128xf32, #tpu.memory_space<vmem>> -> memref<128x128xf32, #tpu.memory_space<vmem>>
    %dma_wait3A_117 = arith.constant 0 : i32
    %dma_wait3A_118 = tpu.memref_slice %arg5[%dma_wait3A_111, %dma_wait3A_117] : memref<50x128xi32, #tpu.memory_space<vmem>> -> memref<1x128xi32, #tpu.memory_space<vmem>>
    %dma_wait3A_119 = tpu.memref_squeeze %dma_wait3A_118 : memref<1x128xi32, #tpu.memory_space<vmem>> -> memref<128xi32, #tpu.memory_space<vmem>>
    %dma_wait3A_120 = arith.constant 0 : i32
    %dma_wait3A_121 = arith.constant 0 : i32
    %dma_wait3A_122 = tpu.memref_slice %arg2[%dma_wait3A_120, %dma_wait3A_121] : memref<100000x128xf32, #tpu.memory_space<hbm>> -> memref<100000x128xf32, #tpu.memory_space<hbm>>
    tpu.wait_indirect_dma semaphore(%arg8 : memref<!tpu.dma_semaphore, #tpu.memory_space<semaphore_mem>>) src(%dma_wait3A_122 : memref<100000x128xf32, #tpu.memory_space<hbm>>) dst(%dma_wait3A_116 : memref<128x128xf32, #tpu.memory_space<vmem>>)
    %dma_start3A_123 = arith.constant 1 : i32
    %dma_start3A_124 = arith.constant 1 : i32
    %dma_start3A_125 = arith.constant 0 : i32
    %dma_start3A_126 = arith.constant 0 : i32
    %dma_start3A_127 = tpu.memref_slice %arg6[%dma_start3A_123, %dma_start3A_125, %dma_start3A_126] : memref<6x128x128xf32, #tpu.memory_space<vmem>> -> memref<1x128x128xf32, #tpu.memory_space<vmem>>
    %dma_start3A_128 = tpu.memref_squeeze %dma_start3A_127 : memref<1x128x128xf32, #tpu.memory_space<vmem>> -> memref<128x128xf32, #tpu.memory_space<vmem>>
    %dma_start3A_129 = arith.constant 0 : i32
    %dma_start3A_130 = tpu.memref_slice %arg4[%dma_start3A_124, %mul3A_2, %dma_start3A_129] : memref<50x4096x128xf32, #tpu.memory_space<hbm>> -> memref<1x128x128xf32, #tpu.memory_space<hbm>>
    %dma_start3A_131 = tpu.memref_squeeze %dma_start3A_130 : memref<1x128x128xf32, #tpu.memory_space<hbm>> -> memref<128x128xf32, #tpu.memory_space<hbm>>
    %dma_start3A_132 = arith.constant 0 : i32
    %dma_start3A_133 = tpu.memref_slice %arg4[%dma_start3A_124, %mul3A_2, %dma_start3A_132] : memref<50x4096x128xf32, #tpu.memory_space<hbm>> -> memref<1x128x128xf32, #tpu.memory_space<hbm>>
    %dma_start3A_134 = tpu.memref_squeeze %dma_start3A_133 : memref<1x128x128xf32, #tpu.memory_space<hbm>> -> memref<128x128xf32, #tpu.memory_space<hbm>>
    %dma_start3A_135 = arith.constant 0 : i32
    %dma_start3A_136 = arith.constant 0 : i32
    %dma_start3A_137 = tpu.memref_slice %arg6[%dma_start3A_123, %dma_start3A_135, %dma_start3A_136] : memref<6x128x128xf32, #tpu.memory_space<vmem>> -> memref<1x128x128xf32, #tpu.memory_space<vmem>>
    %dma_start3A_138 = tpu.memref_squeeze %dma_start3A_137 : memref<1x128x128xf32, #tpu.memory_space<vmem>> -> memref<128x128xf32, #tpu.memory_space<vmem>>
    tpu.enqueue_dma source(%dma_start3A_138 : memref<128x128xf32, #tpu.memory_space<vmem>>) target(%dma_start3A_134 : memref<128x128xf32, #tpu.memory_space<hbm>>) target_semaphore(%arg14 : memref<!tpu.dma_semaphore, #tpu.memory_space<semaphore_mem>>)
    %dma_wait3A_139 = arith.constant 8 : i32
    %dma_wait3A_140 = arith.constant 0 : i32
    %dma_wait3A_141 = tpu.memref_slice %arg5[%dma_wait3A_139, %dma_wait3A_140] : memref<50x128xi32, #tpu.memory_space<vmem>> -> memref<42x128xi32, #tpu.memory_space<vmem>>
    %dma_wait3A_142 = arith.constant 8 : i32
    %dma_wait3A_143 = tpu.memref_slice %arg3[%dma_wait3A_142, %mul3A_2] : memref<50x4096xi32, #tpu.memory_space<hbm>> -> memref<42x128xi32, #tpu.memory_space<hbm>>
    %dma_wait3A_144 = arith.constant 8 : i32
    %dma_wait3A_145 = arith.constant 0 : i32
    %dma_wait3A_146 = tpu.memref_slice %arg5[%dma_wait3A_144, %dma_wait3A_145] : memref<50x128xi32, #tpu.memory_space<vmem>> -> memref<42x128xi32, #tpu.memory_space<vmem>>
    %dma_wait3A_147 = arith.constant 8 : i32
    %dma_wait3A_148 = tpu.memref_slice %arg3[%dma_wait3A_147, %mul3A_2] : memref<50x4096xi32, #tpu.memory_space<hbm>> -> memref<42x128xi32, #tpu.memory_space<hbm>>
    tpu.wait_dma2 semaphore(%arg19 : memref<!tpu.dma_semaphore, #tpu.memory_space<semaphore_mem>>) src(%dma_wait3A_148 : memref<42x128xi32, #tpu.memory_space<hbm>>) dst(%dma_wait3A_146 : memref<42x128xi32, #tpu.memory_space<vmem>>)
    %scan3A = arith.constant 0 : i32
    %scan3A_149 = arith.constant 0 : i32
    %scan3A_150 = arith.constant 7 : i32
    %scan3A_151 = arith.addi %scan3A_149, %scan3A_150 : i32
    %scan3A_152 = arith.constant 1 : i32
    scf.for %scan3A_474 = %scan3A_149 to %scan3A_151 step %scan3A_152  : i32 {
      %mul3A_475 = arith.constant 6 : i32
      %mul3A_476 = arith.muli %mul3A_475, %scan3A_474 : i32
      %add3A_477 = arith.constant 2 : i32
      %add3A_478 = arith.addi %mul3A_476, %add3A_477 : i32
      %add3A_479 = arith.constant 0 : i32
      %add3A_480 = arith.addi %add3A_478, %add3A_479 : i32
      %dma_wait3A_481 = arith.constant 0 : i32
      %dma_wait3A_482 = arith.constant 0 : i32
      %dma_wait3A_483 = arith.constant 0 : i32
      %dma_wait3A_484 = arith.constant 0 : i32
      %dma_wait3A_485 = tpu.memref_slice %arg6[%dma_wait3A_481, %dma_wait3A_483, %dma_wait3A_484] : memref<6x128x128xf32, #tpu.memory_space<vmem>> -> memref<1x128x128xf32, #tpu.memory_space<vmem>>
      %dma_wait3A_486 = tpu.memref_squeeze %dma_wait3A_485 : memref<1x128x128xf32, #tpu.memory_space<vmem>> -> memref<128x128xf32, #tpu.memory_space<vmem>>
      %dma_wait3A_487 = arith.constant 0 : i32
      %dma_wait3A_488 = tpu.memref_slice %arg4[%dma_wait3A_482, %mul3A_2, %dma_wait3A_487] : memref<50x4096x128xf32, #tpu.memory_space<hbm>> -> memref<1x128x128xf32, #tpu.memory_space<hbm>>
      %dma_wait3A_489 = tpu.memref_squeeze %dma_wait3A_488 : memref<1x128x128xf32, #tpu.memory_space<hbm>> -> memref<128x128xf32, #tpu.memory_space<hbm>>
      %dma_wait3A_490 = arith.constant 0 : i32
      %dma_wait3A_491 = tpu.memref_slice %arg4[%dma_wait3A_482, %mul3A_2, %dma_wait3A_490] : memref<50x4096x128xf32, #tpu.memory_space<hbm>> -> memref<1x128x128xf32, #tpu.memory_space<hbm>>
      %dma_wait3A_492 = tpu.memref_squeeze %dma_wait3A_491 : memref<1x128x128xf32, #tpu.memory_space<hbm>> -> memref<128x128xf32, #tpu.memory_space<hbm>>
      %dma_wait3A_493 = arith.constant 0 : i32
      %dma_wait3A_494 = arith.constant 0 : i32
      %dma_wait3A_495 = tpu.memref_slice %arg6[%dma_wait3A_481, %dma_wait3A_493, %dma_wait3A_494] : memref<6x128x128xf32, #tpu.memory_space<vmem>> -> memref<1x128x128xf32, #tpu.memory_space<vmem>>
      %dma_wait3A_496 = tpu.memref_squeeze %dma_wait3A_495 : memref<1x128x128xf32, #tpu.memory_space<vmem>> -> memref<128x128xf32, #tpu.memory_space<vmem>>
      tpu.wait_dma2 semaphore(%arg13 : memref<!tpu.dma_semaphore, #tpu.memory_space<semaphore_mem>>) src(%dma_wait3A_496 : memref<128x128xf32, #tpu.memory_space<vmem>>) dst(%dma_wait3A_492 : memref<128x128xf32, #tpu.memory_space<hbm>>)
      %add3A_497 = arith.constant 4 : i32
      %add3A_498 = arith.addi %add3A_480, %add3A_497 : i32
      %dma_start3A_499 = arith.constant 0 : i32
      %dma_start3A_500 = arith.constant 0 : i32
      %dma_start3A_501 = arith.constant 0 : i32
      %dma_start3A_502 = tpu.memref_slice %arg6[%dma_start3A_499, %dma_start3A_500, %dma_start3A_501] : memref<6x128x128xf32, #tpu.memory_space<vmem>> -> memref<1x128x128xf32, #tpu.memory_space<vmem>>
      %dma_start3A_503 = tpu.memref_squeeze %dma_start3A_502 : memref<1x128x128xf32, #tpu.memory_space<vmem>> -> memref<128x128xf32, #tpu.memory_space<vmem>>
      %dma_start3A_504 = arith.constant 0 : i32
      %dma_start3A_505 = tpu.memref_slice %arg5[%add3A_498, %dma_start3A_504] : memref<50x128xi32, #tpu.memory_space<vmem>> -> memref<1x128xi32, #tpu.memory_space<vmem>>
      %dma_start3A_506 = tpu.memref_squeeze %dma_start3A_505 : memref<1x128xi32, #tpu.memory_space<vmem>> -> memref<128xi32, #tpu.memory_space<vmem>>
      %dma_start3A_507 = arith.constant 0 : i32
      %dma_start3A_508 = arith.constant 0 : i32
      %dma_start3A_509 = tpu.memref_slice %arg2[%dma_start3A_507, %dma_start3A_508] : memref<100000x128xf32, #tpu.memory_space<hbm>> -> memref<100000x128xf32, #tpu.memory_space<hbm>>
      tpu.enqueue_indirect_dma source(%dma_start3A_509 : memref<100000x128xf32, #tpu.memory_space<hbm>>) target(%dma_start3A_503 : memref<128x128xf32, #tpu.memory_space<vmem>>) offsets(%dma_start3A_506 : memref<128xi32, #tpu.memory_space<vmem>>) semaphore(%arg7 : memref<!tpu.dma_semaphore, #tpu.memory_space<semaphore_mem>>)
      %dma_wait3A_510 = arith.constant 0 : i32
      %dma_wait3A_511 = arith.constant 2 : i32
      %dma_wait3A_512 = arith.constant 0 : i32
      %dma_wait3A_513 = arith.constant 0 : i32
      %dma_wait3A_514 = tpu.memref_slice %arg6[%dma_wait3A_511, %dma_wait3A_512, %dma_wait3A_513] : memref<6x128x128xf32, #tpu.memory_space<vmem>> -> memref<1x128x128xf32, #tpu.memory_space<vmem>>
      %dma_wait3A_515 = tpu.memref_squeeze %dma_wait3A_514 : memref<1x128x128xf32, #tpu.memory_space<vmem>> -> memref<128x128xf32, #tpu.memory_space<vmem>>
      %dma_wait3A_516 = arith.constant 0 : i32
      %dma_wait3A_517 = tpu.memref_slice %arg5[%dma_wait3A_510, %dma_wait3A_516] : memref<50x128xi32, #tpu.memory_space<vmem>> -> memref<1x128xi32, #tpu.memory_space<vmem>>
      %dma_wait3A_518 = tpu.memref_squeeze %dma_wait3A_517 : memref<1x128xi32, #tpu.memory_space<vmem>> -> memref<128xi32, #tpu.memory_space<vmem>>
      %dma_wait3A_519 = arith.constant 0 : i32
      %dma_wait3A_520 = arith.constant 0 : i32
      %dma_wait3A_521 = tpu.memref_slice %arg2[%dma_wait3A_519, %dma_wait3A_520] : memref<100000x128xf32, #tpu.memory_space<hbm>> -> memref<100000x128xf32, #tpu.memory_space<hbm>>
      tpu.wait_indirect_dma semaphore(%arg9 : memref<!tpu.dma_semaphore, #tpu.memory_space<semaphore_mem>>) src(%dma_wait3A_521 : memref<100000x128xf32, #tpu.memory_space<hbm>>) dst(%dma_wait3A_515 : memref<128x128xf32, #tpu.memory_space<vmem>>)
      %dma_start3A_522 = arith.constant 2 : i32
      %dma_start3A_523 = arith.constant 0 : i32
      %dma_start3A_524 = arith.constant 0 : i32
      %dma_start3A_525 = tpu.memref_slice %arg6[%dma_start3A_522, %dma_start3A_523, %dma_start3A_524] : memref<6x128x128xf32, #tpu.memory_space<vmem>> -> memref<1x128x128xf32, #tpu.memory_space<vmem>>
      %dma_start3A_526 = tpu.memref_squeeze %dma_start3A_525 : memref<1x128x128xf32, #tpu.memory_space<vmem>> -> memref<128x128xf32, #tpu.memory_space<vmem>>
      %dma_start3A_527 = arith.constant 0 : i32
      %dma_start3A_528 = tpu.memref_slice %arg4[%add3A_480, %mul3A_2, %dma_start3A_527] : memref<50x4096x128xf32, #tpu.memory_space<hbm>> -> memref<1x128x128xf32, #tpu.memory_space<hbm>>
      %dma_start3A_529 = tpu.memref_squeeze %dma_start3A_528 : memref<1x128x128xf32, #tpu.memory_space<hbm>> -> memref<128x128xf32, #tpu.memory_space<hbm>>
      %dma_start3A_530 = arith.constant 0 : i32
      %dma_start3A_531 = tpu.memref_slice %arg4[%add3A_480, %mul3A_2, %dma_start3A_530] : memref<50x4096x128xf32, #tpu.memory_space<hbm>> -> memref<1x128x128xf32, #tpu.memory_space<hbm>>
      %dma_start3A_532 = tpu.memref_squeeze %dma_start3A_531 : memref<1x128x128xf32, #tpu.memory_space<hbm>> -> memref<128x128xf32, #tpu.memory_space<hbm>>
      %dma_start3A_533 = arith.constant 0 : i32
      %dma_start3A_534 = arith.constant 0 : i32
      %dma_start3A_535 = tpu.memref_slice %arg6[%dma_start3A_522, %dma_start3A_533, %dma_start3A_534] : memref<6x128x128xf32, #tpu.memory_space<vmem>> -> memref<1x128x128xf32, #tpu.memory_space<vmem>>
      %dma_start3A_536 = tpu.memref_squeeze %dma_start3A_535 : memref<1x128x128xf32, #tpu.memory_space<vmem>> -> memref<128x128xf32, #tpu.memory_space<vmem>>
      tpu.enqueue_dma source(%dma_start3A_536 : memref<128x128xf32, #tpu.memory_space<vmem>>) target(%dma_start3A_532 : memref<128x128xf32, #tpu.memory_space<hbm>>) target_semaphore(%arg15 : memref<!tpu.dma_semaphore, #tpu.memory_space<semaphore_mem>>)
      %mul3A_537 = arith.constant 6 : i32
      %mul3A_538 = arith.muli %mul3A_537, %scan3A_474 : i32
      %add3A_539 = arith.constant 2 : i32
      %add3A_540 = arith.addi %mul3A_538, %add3A_539 : i32
      %add3A_541 = arith.constant 1 : i32
      %add3A_542 = arith.addi %add3A_540, %add3A_541 : i32
      %dma_wait3A_543 = arith.constant 1 : i32
      %dma_wait3A_544 = arith.constant 0 : i32
      %dma_wait3A_545 = arith.constant 0 : i32
      %dma_wait3A_546 = arith.constant 0 : i32
      %dma_wait3A_547 = tpu.memref_slice %arg6[%dma_wait3A_543, %dma_wait3A_545, %dma_wait3A_546] : memref<6x128x128xf32, #tpu.memory_space<vmem>> -> memref<1x128x128xf32, #tpu.memory_space<vmem>>
      %dma_wait3A_548 = tpu.memref_squeeze %dma_wait3A_547 : memref<1x128x128xf32, #tpu.memory_space<vmem>> -> memref<128x128xf32, #tpu.memory_space<vmem>>
      %dma_wait3A_549 = arith.constant 0 : i32
      %dma_wait3A_550 = tpu.memref_slice %arg4[%dma_wait3A_544, %mul3A_2, %dma_wait3A_549] : memref<50x4096x128xf32, #tpu.memory_space<hbm>> -> memref<1x128x128xf32, #tpu.memory_space<hbm>>
      %dma_wait3A_551 = tpu.memref_squeeze %dma_wait3A_550 : memref<1x128x128xf32, #tpu.memory_space<hbm>> -> memref<128x128xf32, #tpu.memory_space<hbm>>
      %dma_wait3A_552 = arith.constant 0 : i32
      %dma_wait3A_553 = tpu.memref_slice %arg4[%dma_wait3A_544, %mul3A_2, %dma_wait3A_552] : memref<50x4096x128xf32, #tpu.memory_space<hbm>> -> memref<1x128x128xf32, #tpu.memory_space<hbm>>
      %dma_wait3A_554 = tpu.memref_squeeze %dma_wait3A_553 : memref<1x128x128xf32, #tpu.memory_space<hbm>> -> memref<128x128xf32, #tpu.memory_space<hbm>>
      %dma_wait3A_555 = arith.constant 0 : i32
      %dma_wait3A_556 = arith.constant 0 : i32
      %dma_wait3A_557 = tpu.memref_slice %arg6[%dma_wait3A_543, %dma_wait3A_555, %dma_wait3A_556] : memref<6x128x128xf32, #tpu.memory_space<vmem>> -> memref<1x128x128xf32, #tpu.memory_space<vmem>>
      %dma_wait3A_558 = tpu.memref_squeeze %dma_wait3A_557 : memref<1x128x128xf32, #tpu.memory_space<vmem>> -> memref<128x128xf32, #tpu.memory_space<vmem>>
      tpu.wait_dma2 semaphore(%arg14 : memref<!tpu.dma_semaphore, #tpu.memory_space<semaphore_mem>>) src(%dma_wait3A_558 : memref<128x128xf32, #tpu.memory_space<vmem>>) dst(%dma_wait3A_554 : memref<128x128xf32, #tpu.memory_space<hbm>>)
      %add3A_559 = arith.constant 4 : i32
      %add3A_560 = arith.addi %add3A_542, %add3A_559 : i32
      %dma_start3A_561 = arith.constant 1 : i32
      %dma_start3A_562 = arith.constant 0 : i32
      %dma_start3A_563 = arith.constant 0 : i32
      %dma_start3A_564 = tpu.memref_slice %arg6[%dma_start3A_561, %dma_start3A_562, %dma_start3A_563] : memref<6x128x128xf32, #tpu.memory_space<vmem>> -> memref<1x128x128xf32, #tpu.memory_space<vmem>>
      %dma_start3A_565 = tpu.memref_squeeze %dma_start3A_564 : memref<1x128x128xf32, #tpu.memory_space<vmem>> -> memref<128x128xf32, #tpu.memory_space<vmem>>
      %dma_start3A_566 = arith.constant 0 : i32
      %dma_start3A_567 = tpu.memref_slice %arg5[%add3A_560, %dma_start3A_566] : memref<50x128xi32, #tpu.memory_space<vmem>> -> memref<1x128xi32, #tpu.memory_space<vmem>>
      %dma_start3A_568 = tpu.memref_squeeze %dma_start3A_567 : memref<1x128xi32, #tpu.memory_space<vmem>> -> memref<128xi32, #tpu.memory_space<vmem>>
      %dma_start3A_569 = arith.constant 0 : i32
      %dma_start3A_570 = arith.constant 0 : i32
      %dma_start3A_571 = tpu.memref_slice %arg2[%dma_start3A_569, %dma_start3A_570] : memref<100000x128xf32, #tpu.memory_space<hbm>> -> memref<100000x128xf32, #tpu.memory_space<hbm>>
      tpu.enqueue_indirect_dma source(%dma_start3A_571 : memref<100000x128xf32, #tpu.memory_space<hbm>>) target(%dma_start3A_565 : memref<128x128xf32, #tpu.memory_space<vmem>>) offsets(%dma_start3A_568 : memref<128xi32, #tpu.memory_space<vmem>>) semaphore(%arg8 : memref<!tpu.dma_semaphore, #tpu.memory_space<semaphore_mem>>)
      %dma_wait3A_572 = arith.constant 0 : i32
      %dma_wait3A_573 = arith.constant 3 : i32
      %dma_wait3A_574 = arith.constant 0 : i32
      %dma_wait3A_575 = arith.constant 0 : i32
      %dma_wait3A_576 = tpu.memref_slice %arg6[%dma_wait3A_573, %dma_wait3A_574, %dma_wait3A_575] : memref<6x128x128xf32, #tpu.memory_space<vmem>> -> memref<1x128x128xf32, #tpu.memory_space<vmem>>
      %dma_wait3A_577 = tpu.memref_squeeze %dma_wait3A_576 : memref<1x128x128xf32, #tpu.memory_space<vmem>> -> memref<128x128xf32, #tpu.memory_space<vmem>>
      %dma_wait3A_578 = arith.constant 0 : i32
      %dma_wait3A_579 = tpu.memref_slice %arg5[%dma_wait3A_572, %dma_wait3A_578] : memref<50x128xi32, #tpu.memory_space<vmem>> -> memref<1x128xi32, #tpu.memory_space<vmem>>
      %dma_wait3A_580 = tpu.memref_squeeze %dma_wait3A_579 : memref<1x128xi32, #tpu.memory_space<vmem>> -> memref<128xi32, #tpu.memory_space<vmem>>
      %dma_wait3A_581 = arith.constant 0 : i32
      %dma_wait3A_582 = arith.constant 0 : i32
      %dma_wait3A_583 = tpu.memref_slice %arg2[%dma_wait3A_581, %dma_wait3A_582] : memref<100000x128xf32, #tpu.memory_space<hbm>> -> memref<100000x128xf32, #tpu.memory_space<hbm>>
      tpu.wait_indirect_dma semaphore(%arg10 : memref<!tpu.dma_semaphore, #tpu.memory_space<semaphore_mem>>) src(%dma_wait3A_583 : memref<100000x128xf32, #tpu.memory_space<hbm>>) dst(%dma_wait3A_577 : memref<128x128xf32, #tpu.memory_space<vmem>>)
      %dma_start3A_584 = arith.constant 3 : i32
      %dma_start3A_585 = arith.constant 0 : i32
      %dma_start3A_586 = arith.constant 0 : i32
      %dma_start3A_587 = tpu.memref_slice %arg6[%dma_start3A_584, %dma_start3A_585, %dma_start3A_586] : memref<6x128x128xf32, #tpu.memory_space<vmem>> -> memref<1x128x128xf32, #tpu.memory_space<vmem>>
      %dma_start3A_588 = tpu.memref_squeeze %dma_start3A_587 : memref<1x128x128xf32, #tpu.memory_space<vmem>> -> memref<128x128xf32, #tpu.memory_space<vmem>>
      %dma_start3A_589 = arith.constant 0 : i32
      %dma_start3A_590 = tpu.memref_slice %arg4[%add3A_542, %mul3A_2, %dma_start3A_589] : memref<50x4096x128xf32, #tpu.memory_space<hbm>> -> memref<1x128x128xf32, #tpu.memory_space<hbm>>
      %dma_start3A_591 = tpu.memref_squeeze %dma_start3A_590 : memref<1x128x128xf32, #tpu.memory_space<hbm>> -> memref<128x128xf32, #tpu.memory_space<hbm>>
      %dma_start3A_592 = arith.constant 0 : i32
      %dma_start3A_593 = tpu.memref_slice %arg4[%add3A_542, %mul3A_2, %dma_start3A_592] : memref<50x4096x128xf32, #tpu.memory_space<hbm>> -> memref<1x128x128xf32, #tpu.memory_space<hbm>>
      %dma_start3A_594 = tpu.memref_squeeze %dma_start3A_593 : memref<1x128x128xf32, #tpu.memory_space<hbm>> -> memref<128x128xf32, #tpu.memory_space<hbm>>
      %dma_start3A_595 = arith.constant 0 : i32
      %dma_start3A_596 = arith.constant 0 : i32
      %dma_start3A_597 = tpu.memref_slice %arg6[%dma_start3A_584, %dma_start3A_595, %dma_start3A_596] : memref<6x128x128xf32, #tpu.memory_space<vmem>> -> memref<1x128x128xf32, #tpu.memory_space<vmem>>
      %dma_start3A_598 = tpu.memref_squeeze %dma_start3A_597 : memref<1x128x128xf32, #tpu.memory_space<vmem>> -> memref<128x128xf32, #tpu.memory_space<vmem>>
      tpu.enqueue_dma source(%dma_start3A_598 : memref<128x128xf32, #tpu.memory_space<vmem>>) target(%dma_start3A_594 : memref<128x128xf32, #tpu.memory_space<hbm>>) target_semaphore(%arg16 : memref<!tpu.dma_semaphore, #tpu.memory_space<semaphore_mem>>)
      %mul3A_599 = arith.constant 6 : i32
      %mul3A_600 = arith.muli %mul3A_599, %scan3A_474 : i32
      %add3A_601 = arith.constant 2 : i32
      %add3A_602 = arith.addi %mul3A_600, %add3A_601 : i32
      %add3A_603 = arith.constant 2 : i32
      %add3A_604 = arith.addi %add3A_602, %add3A_603 : i32
      %dma_wait3A_605 = arith.constant 2 : i32
      %dma_wait3A_606 = arith.constant 0 : i32
      %dma_wait3A_607 = arith.constant 0 : i32
      %dma_wait3A_608 = arith.constant 0 : i32
      %dma_wait3A_609 = tpu.memref_slice %arg6[%dma_wait3A_605, %dma_wait3A_607, %dma_wait3A_608] : memref<6x128x128xf32, #tpu.memory_space<vmem>> -> memref<1x128x128xf32, #tpu.memory_space<vmem>>
      %dma_wait3A_610 = tpu.memref_squeeze %dma_wait3A_609 : memref<1x128x128xf32, #tpu.memory_space<vmem>> -> memref<128x128xf32, #tpu.memory_space<vmem>>
      %dma_wait3A_611 = arith.constant 0 : i32
      %dma_wait3A_612 = tpu.memref_slice %arg4[%dma_wait3A_606, %mul3A_2, %dma_wait3A_611] : memref<50x4096x128xf32, #tpu.memory_space<hbm>> -> memref<1x128x128xf32, #tpu.memory_space<hbm>>
      %dma_wait3A_613 = tpu.memref_squeeze %dma_wait3A_612 : memref<1x128x128xf32, #tpu.memory_space<hbm>> -> memref<128x128xf32, #tpu.memory_space<hbm>>
      %dma_wait3A_614 = arith.constant 0 : i32
      %dma_wait3A_615 = tpu.memref_slice %arg4[%dma_wait3A_606, %mul3A_2, %dma_wait3A_614] : memref<50x4096x128xf32, #tpu.memory_space<hbm>> -> memref<1x128x128xf32, #tpu.memory_space<hbm>>
      %dma_wait3A_616 = tpu.memref_squeeze %dma_wait3A_615 : memref<1x128x128xf32, #tpu.memory_space<hbm>> -> memref<128x128xf32, #tpu.memory_space<hbm>>
      %dma_wait3A_617 = arith.constant 0 : i32
      %dma_wait3A_618 = arith.constant 0 : i32
      %dma_wait3A_619 = tpu.memref_slice %arg6[%dma_wait3A_605, %dma_wait3A_617, %dma_wait3A_618] : memref<6x128x128xf32, #tpu.memory_space<vmem>> -> memref<1x128x128xf32, #tpu.memory_space<vmem>>
      %dma_wait3A_620 = tpu.memref_squeeze %dma_wait3A_619 : memref<1x128x128xf32, #tpu.memory_space<vmem>> -> memref<128x128xf32, #tpu.memory_space<vmem>>
      tpu.wait_dma2 semaphore(%arg15 : memref<!tpu.dma_semaphore, #tpu.memory_space<semaphore_mem>>) src(%dma_wait3A_620 : memref<128x128xf32, #tpu.memory_space<vmem>>) dst(%dma_wait3A_616 : memref<128x128xf32, #tpu.memory_space<hbm>>)
      %add3A_621 = arith.constant 4 : i32
      %add3A_622 = arith.addi %add3A_604, %add3A_621 : i32
      %dma_start3A_623 = arith.constant 2 : i32
      %dma_start3A_624 = arith.constant 0 : i32
      %dma_start3A_625 = arith.constant 0 : i32
      %dma_start3A_626 = tpu.memref_slice %arg6[%dma_start3A_623, %dma_start3A_624, %dma_start3A_625] : memref<6x128x128xf32, #tpu.memory_space<vmem>> -> memref<1x128x128xf32, #tpu.memory_space<vmem>>
      %dma_start3A_627 = tpu.memref_squeeze %dma_start3A_626 : memref<1x128x128xf32, #tpu.memory_space<vmem>> -> memref<128x128xf32, #tpu.memory_space<vmem>>
      %dma_start3A_628 = arith.constant 0 : i32
      %dma_start3A_629 = tpu.memref_slice %arg5[%add3A_622, %dma_start3A_628] : memref<50x128xi32, #tpu.memory_space<vmem>> -> memref<1x128xi32, #tpu.memory_space<vmem>>
      %dma_start3A_630 = tpu.memref_squeeze %dma_start3A_629 : memref<1x128xi32, #tpu.memory_space<vmem>> -> memref<128xi32, #tpu.memory_space<vmem>>
      %dma_start3A_631 = arith.constant 0 : i32
      %dma_start3A_632 = arith.constant 0 : i32
      %dma_start3A_633 = tpu.memref_slice %arg2[%dma_start3A_631, %dma_start3A_632] : memref<100000x128xf32, #tpu.memory_space<hbm>> -> memref<100000x128xf32, #tpu.memory_space<hbm>>
      tpu.enqueue_indirect_dma source(%dma_start3A_633 : memref<100000x128xf32, #tpu.memory_space<hbm>>) target(%dma_start3A_627 : memref<128x128xf32, #tpu.memory_space<vmem>>) offsets(%dma_start3A_630 : memref<128xi32, #tpu.memory_space<vmem>>) semaphore(%arg9 : memref<!tpu.dma_semaphore, #tpu.memory_space<semaphore_mem>>)
      %dma_wait3A_634 = arith.constant 0 : i32
      %dma_wait3A_635 = arith.constant 4 : i32
      %dma_wait3A_636 = arith.constant 0 : i32
      %dma_wait3A_637 = arith.constant 0 : i32
      %dma_wait3A_638 = tpu.memref_slice %arg6[%dma_wait3A_635, %dma_wait3A_636, %dma_wait3A_637] : memref<6x128x128xf32, #tpu.memory_space<vmem>> -> memref<1x128x128xf32, #tpu.memory_space<vmem>>
      %dma_wait3A_639 = tpu.memref_squeeze %dma_wait3A_638 : memref<1x128x128xf32, #tpu.memory_space<vmem>> -> memref<128x128xf32, #tpu.memory_space<vmem>>
      %dma_wait3A_640 = arith.constant 0 : i32
      %dma_wait3A_641 = tpu.memref_slice %arg5[%dma_wait3A_634, %dma_wait3A_640] : memref<50x128xi32, #tpu.memory_space<vmem>> -> memref<1x128xi32, #tpu.memory_space<vmem>>
      %dma_wait3A_642 = tpu.memref_squeeze %dma_wait3A_641 : memref<1x128xi32, #tpu.memory_space<vmem>> -> memref<128xi32, #tpu.memory_space<vmem>>
      %dma_wait3A_643 = arith.constant 0 : i32
      %dma_wait3A_644 = arith.constant 0 : i32
      %dma_wait3A_645 = tpu.memref_slice %arg2[%dma_wait3A_643, %dma_wait3A_644] : memref<100000x128xf32, #tpu.memory_space<hbm>> -> memref<100000x128xf32, #tpu.memory_space<hbm>>
      tpu.wait_indirect_dma semaphore(%arg11 : memref<!tpu.dma_semaphore, #tpu.memory_space<semaphore_mem>>) src(%dma_wait3A_645 : memref<100000x128xf32, #tpu.memory_space<hbm>>) dst(%dma_wait3A_639 : memref<128x128xf32, #tpu.memory_space<vmem>>)
      %dma_start3A_646 = arith.constant 4 : i32
      %dma_start3A_647 = arith.constant 0 : i32
      %dma_start3A_648 = arith.constant 0 : i32
      %dma_start3A_649 = tpu.memref_slice %arg6[%dma_start3A_646, %dma_start3A_647, %dma_start3A_648] : memref<6x128x128xf32, #tpu.memory_space<vmem>> -> memref<1x128x128xf32, #tpu.memory_space<vmem>>
      %dma_start3A_650 = tpu.memref_squeeze %dma_start3A_649 : memref<1x128x128xf32, #tpu.memory_space<vmem>> -> memref<128x128xf32, #tpu.memory_space<vmem>>
      %dma_start3A_651 = arith.constant 0 : i32
      %dma_start3A_652 = tpu.memref_slice %arg4[%add3A_604, %mul3A_2, %dma_start3A_651] : memref<50x4096x128xf32, #tpu.memory_space<hbm>> -> memref<1x128x128xf32, #tpu.memory_space<hbm>>
      %dma_start3A_653 = tpu.memref_squeeze %dma_start3A_652 : memref<1x128x128xf32, #tpu.memory_space<hbm>> -> memref<128x128xf32, #tpu.memory_space<hbm>>
      %dma_start3A_654 = arith.constant 0 : i32
      %dma_start3A_655 = tpu.memref_slice %arg4[%add3A_604, %mul3A_2, %dma_start3A_654] : memref<50x4096x128xf32, #tpu.memory_space<hbm>> -> memref<1x128x128xf32, #tpu.memory_space<hbm>>
      %dma_start3A_656 = tpu.memref_squeeze %dma_start3A_655 : memref<1x128x128xf32, #tpu.memory_space<hbm>> -> memref<128x128xf32, #tpu.memory_space<hbm>>
      %dma_start3A_657 = arith.constant 0 : i32
      %dma_start3A_658 = arith.constant 0 : i32
      %dma_start3A_659 = tpu.memref_slice %arg6[%dma_start3A_646, %dma_start3A_657, %dma_start3A_658] : memref<6x128x128xf32, #tpu.memory_space<vmem>> -> memref<1x128x128xf32, #tpu.memory_space<vmem>>
      %dma_start3A_660 = tpu.memref_squeeze %dma_start3A_659 : memref<1x128x128xf32, #tpu.memory_space<vmem>> -> memref<128x128xf32, #tpu.memory_space<vmem>>
      tpu.enqueue_dma source(%dma_start3A_660 : memref<128x128xf32, #tpu.memory_space<vmem>>) target(%dma_start3A_656 : memref<128x128xf32, #tpu.memory_space<hbm>>) target_semaphore(%arg17 : memref<!tpu.dma_semaphore, #tpu.memory_space<semaphore_mem>>)
      %mul3A_661 = arith.constant 6 : i32
      %mul3A_662 = arith.muli %mul3A_661, %scan3A_474 : i32
      %add3A_663 = arith.constant 2 : i32
      %add3A_664 = arith.addi %mul3A_662, %add3A_663 : i32
      %add3A_665 = arith.constant 3 : i32
      %add3A_666 = arith.addi %add3A_664, %add3A_665 : i32
      %dma_wait3A_667 = arith.constant 3 : i32
      %dma_wait3A_668 = arith.constant 0 : i32
      %dma_wait3A_669 = arith.constant 0 : i32
      %dma_wait3A_670 = arith.constant 0 : i32
      %dma_wait3A_671 = tpu.memref_slice %arg6[%dma_wait3A_667, %dma_wait3A_669, %dma_wait3A_670] : memref<6x128x128xf32, #tpu.memory_space<vmem>> -> memref<1x128x128xf32, #tpu.memory_space<vmem>>
      %dma_wait3A_672 = tpu.memref_squeeze %dma_wait3A_671 : memref<1x128x128xf32, #tpu.memory_space<vmem>> -> memref<128x128xf32, #tpu.memory_space<vmem>>
      %dma_wait3A_673 = arith.constant 0 : i32
      %dma_wait3A_674 = tpu.memref_slice %arg4[%dma_wait3A_668, %mul3A_2, %dma_wait3A_673] : memref<50x4096x128xf32, #tpu.memory_space<hbm>> -> memref<1x128x128xf32, #tpu.memory_space<hbm>>
      %dma_wait3A_675 = tpu.memref_squeeze %dma_wait3A_674 : memref<1x128x128xf32, #tpu.memory_space<hbm>> -> memref<128x128xf32, #tpu.memory_space<hbm>>
      %dma_wait3A_676 = arith.constant 0 : i32
      %dma_wait3A_677 = tpu.memref_slice %arg4[%dma_wait3A_668, %mul3A_2, %dma_wait3A_676] : memref<50x4096x128xf32, #tpu.memory_space<hbm>> -> memref<1x128x128xf32, #tpu.memory_space<hbm>>
      %dma_wait3A_678 = tpu.memref_squeeze %dma_wait3A_677 : memref<1x128x128xf32, #tpu.memory_space<hbm>> -> memref<128x128xf32, #tpu.memory_space<hbm>>
      %dma_wait3A_679 = arith.constant 0 : i32
      %dma_wait3A_680 = arith.constant 0 : i32
      %dma_wait3A_681 = tpu.memref_slice %arg6[%dma_wait3A_667, %dma_wait3A_679, %dma_wait3A_680] : memref<6x128x128xf32, #tpu.memory_space<vmem>> -> memref<1x128x128xf32, #tpu.memory_space<vmem>>
      %dma_wait3A_682 = tpu.memref_squeeze %dma_wait3A_681 : memref<1x128x128xf32, #tpu.memory_space<vmem>> -> memref<128x128xf32, #tpu.memory_space<vmem>>
      tpu.wait_dma2 semaphore(%arg16 : memref<!tpu.dma_semaphore, #tpu.memory_space<semaphore_mem>>) src(%dma_wait3A_682 : memref<128x128xf32, #tpu.memory_space<vmem>>) dst(%dma_wait3A_678 : memref<128x128xf32, #tpu.memory_space<hbm>>)
      %add3A_683 = arith.constant 4 : i32
      %add3A_684 = arith.addi %add3A_666, %add3A_683 : i32
      %dma_start3A_685 = arith.constant 3 : i32
      %dma_start3A_686 = arith.constant 0 : i32
      %dma_start3A_687 = arith.constant 0 : i32
      %dma_start3A_688 = tpu.memref_slice %arg6[%dma_start3A_685, %dma_start3A_686, %dma_start3A_687] : memref<6x128x128xf32, #tpu.memory_space<vmem>> -> memref<1x128x128xf32, #tpu.memory_space<vmem>>
      %dma_start3A_689 = tpu.memref_squeeze %dma_start3A_688 : memref<1x128x128xf32, #tpu.memory_space<vmem>> -> memref<128x128xf32, #tpu.memory_space<vmem>>
      %dma_start3A_690 = arith.constant 0 : i32
      %dma_start3A_691 = tpu.memref_slice %arg5[%add3A_684, %dma_start3A_690] : memref<50x128xi32, #tpu.memory_space<vmem>> -> memref<1x128xi32, #tpu.memory_space<vmem>>
      %dma_start3A_692 = tpu.memref_squeeze %dma_start3A_691 : memref<1x128xi32, #tpu.memory_space<vmem>> -> memref<128xi32, #tpu.memory_space<vmem>>
      %dma_start3A_693 = arith.constant 0 : i32
      %dma_start3A_694 = arith.constant 0 : i32
      %dma_start3A_695 = tpu.memref_slice %arg2[%dma_start3A_693, %dma_start3A_694] : memref<100000x128xf32, #tpu.memory_space<hbm>> -> memref<100000x128xf32, #tpu.memory_space<hbm>>
      tpu.enqueue_indirect_dma source(%dma_start3A_695 : memref<100000x128xf32, #tpu.memory_space<hbm>>) target(%dma_start3A_689 : memref<128x128xf32, #tpu.memory_space<vmem>>) offsets(%dma_start3A_692 : memref<128xi32, #tpu.memory_space<vmem>>) semaphore(%arg10 : memref<!tpu.dma_semaphore, #tpu.memory_space<semaphore_mem>>)
      %dma_wait3A_696 = arith.constant 0 : i32
      %dma_wait3A_697 = arith.constant 5 : i32
      %dma_wait3A_698 = arith.constant 0 : i32
      %dma_wait3A_699 = arith.constant 0 : i32
      %dma_wait3A_700 = tpu.memref_slice %arg6[%dma_wait3A_697, %dma_wait3A_698, %dma_wait3A_699] : memref<6x128x128xf32, #tpu.memory_space<vmem>> -> memref<1x128x128xf32, #tpu.memory_space<vmem>>
      %dma_wait3A_701 = tpu.memref_squeeze %dma_wait3A_700 : memref<1x128x128xf32, #tpu.memory_space<vmem>> -> memref<128x128xf32, #tpu.memory_space<vmem>>
      %dma_wait3A_702 = arith.constant 0 : i32
      %dma_wait3A_703 = tpu.memref_slice %arg5[%dma_wait3A_696, %dma_wait3A_702] : memref<50x128xi32, #tpu.memory_space<vmem>> -> memref<1x128xi32, #tpu.memory_space<vmem>>
      %dma_wait3A_704 = tpu.memref_squeeze %dma_wait3A_703 : memref<1x128xi32, #tpu.memory_space<vmem>> -> memref<128xi32, #tpu.memory_space<vmem>>
      %dma_wait3A_705 = arith.constant 0 : i32
      %dma_wait3A_706 = arith.constant 0 : i32
      %dma_wait3A_707 = tpu.memref_slice %arg2[%dma_wait3A_705, %dma_wait3A_706] : memref<100000x128xf32, #tpu.memory_space<hbm>> -> memref<100000x128xf32, #tpu.memory_space<hbm>>
      tpu.wait_indirect_dma semaphore(%arg12 : memref<!tpu.dma_semaphore, #tpu.memory_space<semaphore_mem>>) src(%dma_wait3A_707 : memref<100000x128xf32, #tpu.memory_space<hbm>>) dst(%dma_wait3A_701 : memref<128x128xf32, #tpu.memory_space<vmem>>)
      %dma_start3A_708 = arith.constant 5 : i32
      %dma_start3A_709 = arith.constant 0 : i32
      %dma_start3A_710 = arith.constant 0 : i32
      %dma_start3A_711 = tpu.memref_slice %arg6[%dma_start3A_708, %dma_start3A_709, %dma_start3A_710] : memref<6x128x128xf32, #tpu.memory_space<vmem>> -> memref<1x128x128xf32, #tpu.memory_space<vmem>>
      %dma_start3A_712 = tpu.memref_squeeze %dma_start3A_711 : memref<1x128x128xf32, #tpu.memory_space<vmem>> -> memref<128x128xf32, #tpu.memory_space<vmem>>
      %dma_start3A_713 = arith.constant 0 : i32
      %dma_start3A_714 = tpu.memref_slice %arg4[%add3A_666, %mul3A_2, %dma_start3A_713] : memref<50x4096x128xf32, #tpu.memory_space<hbm>> -> memref<1x128x128xf32, #tpu.memory_space<hbm>>
      %dma_start3A_715 = tpu.memref_squeeze %dma_start3A_714 : memref<1x128x128xf32, #tpu.memory_space<hbm>> -> memref<128x128xf32, #tpu.memory_space<hbm>>
      %dma_start3A_716 = arith.constant 0 : i32
      %dma_start3A_717 = tpu.memref_slice %arg4[%add3A_666, %mul3A_2, %dma_start3A_716] : memref<50x4096x128xf32, #tpu.memory_space<hbm>> -> memref<1x128x128xf32, #tpu.memory_space<hbm>>
      %dma_start3A_718 = tpu.memref_squeeze %dma_start3A_717 : memref<1x128x128xf32, #tpu.memory_space<hbm>> -> memref<128x128xf32, #tpu.memory_space<hbm>>
      %dma_start3A_719 = arith.constant 0 : i32
      %dma_start3A_720 = arith.constant 0 : i32
      %dma_start3A_721 = tpu.memref_slice %arg6[%dma_start3A_708, %dma_start3A_719, %dma_start3A_720] : memref<6x128x128xf32, #tpu.memory_space<vmem>> -> memref<1x128x128xf32, #tpu.memory_space<vmem>>
      %dma_start3A_722 = tpu.memref_squeeze %dma_start3A_721 : memref<1x128x128xf32, #tpu.memory_space<vmem>> -> memref<128x128xf32, #tpu.memory_space<vmem>>
      tpu.enqueue_dma source(%dma_start3A_722 : memref<128x128xf32, #tpu.memory_space<vmem>>) target(%dma_start3A_718 : memref<128x128xf32, #tpu.memory_space<hbm>>) target_semaphore(%arg18 : memref<!tpu.dma_semaphore, #tpu.memory_space<semaphore_mem>>)
      %mul3A_723 = arith.constant 6 : i32
      %mul3A_724 = arith.muli %mul3A_723, %scan3A_474 : i32
      %add3A_725 = arith.constant 2 : i32
      %add3A_726 = arith.addi %mul3A_724, %add3A_725 : i32
      %add3A_727 = arith.constant 4 : i32
      %add3A_728 = arith.addi %add3A_726, %add3A_727 : i32
      %dma_wait3A_729 = arith.constant 4 : i32
      %dma_wait3A_730 = arith.constant 0 : i32
      %dma_wait3A_731 = arith.constant 0 : i32
      %dma_wait3A_732 = arith.constant 0 : i32
      %dma_wait3A_733 = tpu.memref_slice %arg6[%dma_wait3A_729, %dma_wait3A_731, %dma_wait3A_732] : memref<6x128x128xf32, #tpu.memory_space<vmem>> -> memref<1x128x128xf32, #tpu.memory_space<vmem>>
      %dma_wait3A_734 = tpu.memref_squeeze %dma_wait3A_733 : memref<1x128x128xf32, #tpu.memory_space<vmem>> -> memref<128x128xf32, #tpu.memory_space<vmem>>
      %dma_wait3A_735 = arith.constant 0 : i32
      %dma_wait3A_736 = tpu.memref_slice %arg4[%dma_wait3A_730, %mul3A_2, %dma_wait3A_735] : memref<50x4096x128xf32, #tpu.memory_space<hbm>> -> memref<1x128x128xf32, #tpu.memory_space<hbm>>
      %dma_wait3A_737 = tpu.memref_squeeze %dma_wait3A_736 : memref<1x128x128xf32, #tpu.memory_space<hbm>> -> memref<128x128xf32, #tpu.memory_space<hbm>>
      %dma_wait3A_738 = arith.constant 0 : i32
      %dma_wait3A_739 = tpu.memref_slice %arg4[%dma_wait3A_730, %mul3A_2, %dma_wait3A_738] : memref<50x4096x128xf32, #tpu.memory_space<hbm>> -> memref<1x128x128xf32, #tpu.memory_space<hbm>>
      %dma_wait3A_740 = tpu.memref_squeeze %dma_wait3A_739 : memref<1x128x128xf32, #tpu.memory_space<hbm>> -> memref<128x128xf32, #tpu.memory_space<hbm>>
      %dma_wait3A_741 = arith.constant 0 : i32
      %dma_wait3A_742 = arith.constant 0 : i32
      %dma_wait3A_743 = tpu.memref_slice %arg6[%dma_wait3A_729, %dma_wait3A_741, %dma_wait3A_742] : memref<6x128x128xf32, #tpu.memory_space<vmem>> -> memref<1x128x128xf32, #tpu.memory_space<vmem>>
      %dma_wait3A_744 = tpu.memref_squeeze %dma_wait3A_743 : memref<1x128x128xf32, #tpu.memory_space<vmem>> -> memref<128x128xf32, #tpu.memory_space<vmem>>
      tpu.wait_dma2 semaphore(%arg17 : memref<!tpu.dma_semaphore, #tpu.memory_space<semaphore_mem>>) src(%dma_wait3A_744 : memref<128x128xf32, #tpu.memory_space<vmem>>) dst(%dma_wait3A_740 : memref<128x128xf32, #tpu.memory_space<hbm>>)
      %add3A_745 = arith.constant 4 : i32
      %add3A_746 = arith.addi %add3A_728, %add3A_745 : i32
      %dma_start3A_747 = arith.constant 4 : i32
      %dma_start3A_748 = arith.constant 0 : i32
      %dma_start3A_749 = arith.constant 0 : i32
      %dma_start3A_750 = tpu.memref_slice %arg6[%dma_start3A_747, %dma_start3A_748, %dma_start3A_749] : memref<6x128x128xf32, #tpu.memory_space<vmem>> -> memref<1x128x128xf32, #tpu.memory_space<vmem>>
      %dma_start3A_751 = tpu.memref_squeeze %dma_start3A_750 : memref<1x128x128xf32, #tpu.memory_space<vmem>> -> memref<128x128xf32, #tpu.memory_space<vmem>>
      %dma_start3A_752 = arith.constant 0 : i32
      %dma_start3A_753 = tpu.memref_slice %arg5[%add3A_746, %dma_start3A_752] : memref<50x128xi32, #tpu.memory_space<vmem>> -> memref<1x128xi32, #tpu.memory_space<vmem>>
      %dma_start3A_754 = tpu.memref_squeeze %dma_start3A_753 : memref<1x128xi32, #tpu.memory_space<vmem>> -> memref<128xi32, #tpu.memory_space<vmem>>
      %dma_start3A_755 = arith.constant 0 : i32
      %dma_start3A_756 = arith.constant 0 : i32
      %dma_start3A_757 = tpu.memref_slice %arg2[%dma_start3A_755, %dma_start3A_756] : memref<100000x128xf32, #tpu.memory_space<hbm>> -> memref<100000x128xf32, #tpu.memory_space<hbm>>
      tpu.enqueue_indirect_dma source(%dma_start3A_757 : memref<100000x128xf32, #tpu.memory_space<hbm>>) target(%dma_start3A_751 : memref<128x128xf32, #tpu.memory_space<vmem>>) offsets(%dma_start3A_754 : memref<128xi32, #tpu.memory_space<vmem>>) semaphore(%arg11 : memref<!tpu.dma_semaphore, #tpu.memory_space<semaphore_mem>>)
      %dma_wait3A_758 = arith.constant 0 : i32
      %dma_wait3A_759 = arith.constant 0 : i32
      %dma_wait3A_760 = arith.constant 0 : i32
      %dma_wait3A_761 = arith.constant 0 : i32
      %dma_wait3A_762 = tpu.memref_slice %arg6[%dma_wait3A_759, %dma_wait3A_760, %dma_wait3A_761] : memref<6x128x128xf32, #tpu.memory_space<vmem>> -> memref<1x128x128xf32, #tpu.memory_space<vmem>>
      %dma_wait3A_763 = tpu.memref_squeeze %dma_wait3A_762 : memref<1x128x128xf32, #tpu.memory_space<vmem>> -> memref<128x128xf32, #tpu.memory_space<vmem>>
      %dma_wait3A_764 = arith.constant 0 : i32
      %dma_wait3A_765 = tpu.memref_slice %arg5[%dma_wait3A_758, %dma_wait3A_764] : memref<50x128xi32, #tpu.memory_space<vmem>> -> memref<1x128xi32, #tpu.memory_space<vmem>>
      %dma_wait3A_766 = tpu.memref_squeeze %dma_wait3A_765 : memref<1x128xi32, #tpu.memory_space<vmem>> -> memref<128xi32, #tpu.memory_space<vmem>>
      %dma_wait3A_767 = arith.constant 0 : i32
      %dma_wait3A_768 = arith.constant 0 : i32
      %dma_wait3A_769 = tpu.memref_slice %arg2[%dma_wait3A_767, %dma_wait3A_768] : memref<100000x128xf32, #tpu.memory_space<hbm>> -> memref<100000x128xf32, #tpu.memory_space<hbm>>
      tpu.wait_indirect_dma semaphore(%arg7 : memref<!tpu.dma_semaphore, #tpu.memory_space<semaphore_mem>>) src(%dma_wait3A_769 : memref<100000x128xf32, #tpu.memory_space<hbm>>) dst(%dma_wait3A_763 : memref<128x128xf32, #tpu.memory_space<vmem>>)
      %dma_start3A_770 = arith.constant 0 : i32
      %dma_start3A_771 = arith.constant 0 : i32
      %dma_start3A_772 = arith.constant 0 : i32
      %dma_start3A_773 = tpu.memref_slice %arg6[%dma_start3A_770, %dma_start3A_771, %dma_start3A_772] : memref<6x128x128xf32, #tpu.memory_space<vmem>> -> memref<1x128x128xf32, #tpu.memory_space<vmem>>
      %dma_start3A_774 = tpu.memref_squeeze %dma_start3A_773 : memref<1x128x128xf32, #tpu.memory_space<vmem>> -> memref<128x128xf32, #tpu.memory_space<vmem>>
      %dma_start3A_775 = arith.constant 0 : i32
      %dma_start3A_776 = tpu.memref_slice %arg4[%add3A_728, %mul3A_2, %dma_start3A_775] : memref<50x4096x128xf32, #tpu.memory_space<hbm>> -> memref<1x128x128xf32, #tpu.memory_space<hbm>>
      %dma_start3A_777 = tpu.memref_squeeze %dma_start3A_776 : memref<1x128x128xf32, #tpu.memory_space<hbm>> -> memref<128x128xf32, #tpu.memory_space<hbm>>
      %dma_start3A_778 = arith.constant 0 : i32
      %dma_start3A_779 = tpu.memref_slice %arg4[%add3A_728, %mul3A_2, %dma_start3A_778] : memref<50x4096x128xf32, #tpu.memory_space<hbm>> -> memref<1x128x128xf32, #tpu.memory_space<hbm>>
      %dma_start3A_780 = tpu.memref_squeeze %dma_start3A_779 : memref<1x128x128xf32, #tpu.memory_space<hbm>> -> memref<128x128xf32, #tpu.memory_space<hbm>>
      %dma_start3A_781 = arith.constant 0 : i32
      %dma_start3A_782 = arith.constant 0 : i32
      %dma_start3A_783 = tpu.memref_slice %arg6[%dma_start3A_770, %dma_start3A_781, %dma_start3A_782] : memref<6x128x128xf32, #tpu.memory_space<vmem>> -> memref<1x128x128xf32, #tpu.memory_space<vmem>>
      %dma_start3A_784 = tpu.memref_squeeze %dma_start3A_783 : memref<1x128x128xf32, #tpu.memory_space<vmem>> -> memref<128x128xf32, #tpu.memory_space<vmem>>
      tpu.enqueue_dma source(%dma_start3A_784 : memref<128x128xf32, #tpu.memory_space<vmem>>) target(%dma_start3A_780 : memref<128x128xf32, #tpu.memory_space<hbm>>) target_semaphore(%arg13 : memref<!tpu.dma_semaphore, #tpu.memory_space<semaphore_mem>>)
      %mul3A_785 = arith.constant 6 : i32
      %mul3A_786 = arith.muli %mul3A_785, %scan3A_474 : i32
      %add3A_787 = arith.constant 2 : i32
      %add3A_788 = arith.addi %mul3A_786, %add3A_787 : i32
      %add3A_789 = arith.constant 5 : i32
      %add3A_790 = arith.addi %add3A_788, %add3A_789 : i32
      %dma_wait3A_791 = arith.constant 5 : i32
      %dma_wait3A_792 = arith.constant 0 : i32
      %dma_wait3A_793 = arith.constant 0 : i32
      %dma_wait3A_794 = arith.constant 0 : i32
      %dma_wait3A_795 = tpu.memref_slice %arg6[%dma_wait3A_791, %dma_wait3A_793, %dma_wait3A_794] : memref<6x128x128xf32, #tpu.memory_space<vmem>> -> memref<1x128x128xf32, #tpu.memory_space<vmem>>
      %dma_wait3A_796 = tpu.memref_squeeze %dma_wait3A_795 : memref<1x128x128xf32, #tpu.memory_space<vmem>> -> memref<128x128xf32, #tpu.memory_space<vmem>>
      %dma_wait3A_797 = arith.constant 0 : i32
      %dma_wait3A_798 = tpu.memref_slice %arg4[%dma_wait3A_792, %mul3A_2, %dma_wait3A_797] : memref<50x4096x128xf32, #tpu.memory_space<hbm>> -> memref<1x128x128xf32, #tpu.memory_space<hbm>>
      %dma_wait3A_799 = tpu.memref_squeeze %dma_wait3A_798 : memref<1x128x128xf32, #tpu.memory_space<hbm>> -> memref<128x128xf32, #tpu.memory_space<hbm>>
      %dma_wait3A_800 = arith.constant 0 : i32
      %dma_wait3A_801 = tpu.memref_slice %arg4[%dma_wait3A_792, %mul3A_2, %dma_wait3A_800] : memref<50x4096x128xf32, #tpu.memory_space<hbm>> -> memref<1x128x128xf32, #tpu.memory_space<hbm>>
      %dma_wait3A_802 = tpu.memref_squeeze %dma_wait3A_801 : memref<1x128x128xf32, #tpu.memory_space<hbm>> -> memref<128x128xf32, #tpu.memory_space<hbm>>
      %dma_wait3A_803 = arith.constant 0 : i32
      %dma_wait3A_804 = arith.constant 0 : i32
      %dma_wait3A_805 = tpu.memref_slice %arg6[%dma_wait3A_791, %dma_wait3A_803, %dma_wait3A_804] : memref<6x128x128xf32, #tpu.memory_space<vmem>> -> memref<1x128x128xf32, #tpu.memory_space<vmem>>
      %dma_wait3A_806 = tpu.memref_squeeze %dma_wait3A_805 : memref<1x128x128xf32, #tpu.memory_space<vmem>> -> memref<128x128xf32, #tpu.memory_space<vmem>>
      tpu.wait_dma2 semaphore(%arg18 : memref<!tpu.dma_semaphore, #tpu.memory_space<semaphore_mem>>) src(%dma_wait3A_806 : memref<128x128xf32, #tpu.memory_space<vmem>>) dst(%dma_wait3A_802 : memref<128x128xf32, #tpu.memory_space<hbm>>)
      %add3A_807 = arith.constant 4 : i32
      %add3A_808 = arith.addi %add3A_790, %add3A_807 : i32
      %dma_start3A_809 = arith.constant 5 : i32
      %dma_start3A_810 = arith.constant 0 : i32
      %dma_start3A_811 = arith.constant 0 : i32
      %dma_start3A_812 = tpu.memref_slice %arg6[%dma_start3A_809, %dma_start3A_810, %dma_start3A_811] : memref<6x128x128xf32, #tpu.memory_space<vmem>> -> memref<1x128x128xf32, #tpu.memory_space<vmem>>
      %dma_start3A_813 = tpu.memref_squeeze %dma_start3A_812 : memref<1x128x128xf32, #tpu.memory_space<vmem>> -> memref<128x128xf32, #tpu.memory_space<vmem>>
      %dma_start3A_814 = arith.constant 0 : i32
      %dma_start3A_815 = tpu.memref_slice %arg5[%add3A_808, %dma_start3A_814] : memref<50x128xi32, #tpu.memory_space<vmem>> -> memref<1x128xi32, #tpu.memory_space<vmem>>
      %dma_start3A_816 = tpu.memref_squeeze %dma_start3A_815 : memref<1x128xi32, #tpu.memory_space<vmem>> -> memref<128xi32, #tpu.memory_space<vmem>>
      %dma_start3A_817 = arith.constant 0 : i32
      %dma_start3A_818 = arith.constant 0 : i32
      %dma_start3A_819 = tpu.memref_slice %arg2[%dma_start3A_817, %dma_start3A_818] : memref<100000x128xf32, #tpu.memory_space<hbm>> -> memref<100000x128xf32, #tpu.memory_space<hbm>>
      tpu.enqueue_indirect_dma source(%dma_start3A_819 : memref<100000x128xf32, #tpu.memory_space<hbm>>) target(%dma_start3A_813 : memref<128x128xf32, #tpu.memory_space<vmem>>) offsets(%dma_start3A_816 : memref<128xi32, #tpu.memory_space<vmem>>) semaphore(%arg12 : memref<!tpu.dma_semaphore, #tpu.memory_space<semaphore_mem>>)
      %dma_wait3A_820 = arith.constant 0 : i32
      %dma_wait3A_821 = arith.constant 1 : i32
      %dma_wait3A_822 = arith.constant 0 : i32
      %dma_wait3A_823 = arith.constant 0 : i32
      %dma_wait3A_824 = tpu.memref_slice %arg6[%dma_wait3A_821, %dma_wait3A_822, %dma_wait3A_823] : memref<6x128x128xf32, #tpu.memory_space<vmem>> -> memref<1x128x128xf32, #tpu.memory_space<vmem>>
      %dma_wait3A_825 = tpu.memref_squeeze %dma_wait3A_824 : memref<1x128x128xf32, #tpu.memory_space<vmem>> -> memref<128x128xf32, #tpu.memory_space<vmem>>
      %dma_wait3A_826 = arith.constant 0 : i32
      %dma_wait3A_827 = tpu.memref_slice %arg5[%dma_wait3A_820, %dma_wait3A_826] : memref<50x128xi32, #tpu.memory_space<vmem>> -> memref<1x128xi32, #tpu.memory_space<vmem>>
      %dma_wait3A_828 = tpu.memref_squeeze %dma_wait3A_827 : memref<1x128xi32, #tpu.memory_space<vmem>> -> memref<128xi32, #tpu.memory_space<vmem>>
      %dma_wait3A_829 = arith.constant 0 : i32
      %dma_wait3A_830 = arith.constant 0 : i32
      %dma_wait3A_831 = tpu.memref_slice %arg2[%dma_wait3A_829, %dma_wait3A_830] : memref<100000x128xf32, #tpu.memory_space<hbm>> -> memref<100000x128xf32, #tpu.memory_space<hbm>>
      tpu.wait_indirect_dma semaphore(%arg8 : memref<!tpu.dma_semaphore, #tpu.memory_space<semaphore_mem>>) src(%dma_wait3A_831 : memref<100000x128xf32, #tpu.memory_space<hbm>>) dst(%dma_wait3A_825 : memref<128x128xf32, #tpu.memory_space<vmem>>)
      %dma_start3A_832 = arith.constant 1 : i32
      %dma_start3A_833 = arith.constant 0 : i32
      %dma_start3A_834 = arith.constant 0 : i32
      %dma_start3A_835 = tpu.memref_slice %arg6[%dma_start3A_832, %dma_start3A_833, %dma_start3A_834] : memref<6x128x128xf32, #tpu.memory_space<vmem>> -> memref<1x128x128xf32, #tpu.memory_space<vmem>>
      %dma_start3A_836 = tpu.memref_squeeze %dma_start3A_835 : memref<1x128x128xf32, #tpu.memory_space<vmem>> -> memref<128x128xf32, #tpu.memory_space<vmem>>
      %dma_start3A_837 = arith.constant 0 : i32
      %dma_start3A_838 = tpu.memref_slice %arg4[%add3A_790, %mul3A_2, %dma_start3A_837] : memref<50x4096x128xf32, #tpu.memory_space<hbm>> -> memref<1x128x128xf32, #tpu.memory_space<hbm>>
      %dma_start3A_839 = tpu.memref_squeeze %dma_start3A_838 : memref<1x128x128xf32, #tpu.memory_space<hbm>> -> memref<128x128xf32, #tpu.memory_space<hbm>>
      %dma_start3A_840 = arith.constant 0 : i32
      %dma_start3A_841 = tpu.memref_slice %arg4[%add3A_790, %mul3A_2, %dma_start3A_840] : memref<50x4096x128xf32, #tpu.memory_space<hbm>> -> memref<1x128x128xf32, #tpu.memory_space<hbm>>
      %dma_start3A_842 = tpu.memref_squeeze %dma_start3A_841 : memref<1x128x128xf32, #tpu.memory_space<hbm>> -> memref<128x128xf32, #tpu.memory_space<hbm>>
      %dma_start3A_843 = arith.constant 0 : i32
      %dma_start3A_844 = arith.constant 0 : i32
      %dma_start3A_845 = tpu.memref_slice %arg6[%dma_start3A_832, %dma_start3A_843, %dma_start3A_844] : memref<6x128x128xf32, #tpu.memory_space<vmem>> -> memref<1x128x128xf32, #tpu.memory_space<vmem>>
      %dma_start3A_846 = tpu.memref_squeeze %dma_start3A_845 : memref<1x128x128xf32, #tpu.memory_space<vmem>> -> memref<128x128xf32, #tpu.memory_space<vmem>>
      tpu.enqueue_dma source(%dma_start3A_846 : memref<128x128xf32, #tpu.memory_space<vmem>>) target(%dma_start3A_842 : memref<128x128xf32, #tpu.memory_space<hbm>>) target_semaphore(%arg14 : memref<!tpu.dma_semaphore, #tpu.memory_space<semaphore_mem>>)
    }
    %scan3A_153 = arith.constant 7 : i32
    %dma_wait3A_154 = arith.constant 0 : i32
    %dma_wait3A_155 = arith.constant 0 : i32
    %dma_wait3A_156 = arith.constant 0 : i32
    %dma_wait3A_157 = arith.constant 0 : i32
    %dma_wait3A_158 = tpu.memref_slice %arg6[%dma_wait3A_154, %dma_wait3A_156, %dma_wait3A_157] : memref<6x128x128xf32, #tpu.memory_space<vmem>> -> memref<1x128x128xf32, #tpu.memory_space<vmem>>
    %dma_wait3A_159 = tpu.memref_squeeze %dma_wait3A_158 : memref<1x128x128xf32, #tpu.memory_space<vmem>> -> memref<128x128xf32, #tpu.memory_space<vmem>>
    %dma_wait3A_160 = arith.constant 0 : i32
    %dma_wait3A_161 = tpu.memref_slice %arg4[%dma_wait3A_155, %mul3A_2, %dma_wait3A_160] : memref<50x4096x128xf32, #tpu.memory_space<hbm>> -> memref<1x128x128xf32, #tpu.memory_space<hbm>>
    %dma_wait3A_162 = tpu.memref_squeeze %dma_wait3A_161 : memref<1x128x128xf32, #tpu.memory_space<hbm>> -> memref<128x128xf32, #tpu.memory_space<hbm>>
    %dma_wait3A_163 = arith.constant 0 : i32
    %dma_wait3A_164 = tpu.memref_slice %arg4[%dma_wait3A_155, %mul3A_2, %dma_wait3A_163] : memref<50x4096x128xf32, #tpu.memory_space<hbm>> -> memref<1x128x128xf32, #tpu.memory_space<hbm>>
    %dma_wait3A_165 = tpu.memref_squeeze %dma_wait3A_164 : memref<1x128x128xf32, #tpu.memory_space<hbm>> -> memref<128x128xf32, #tpu.memory_space<hbm>>
    %dma_wait3A_166 = arith.constant 0 : i32
    %dma_wait3A_167 = arith.constant 0 : i32
    %dma_wait3A_168 = tpu.memref_slice %arg6[%dma_wait3A_154, %dma_wait3A_166, %dma_wait3A_167] : memref<6x128x128xf32, #tpu.memory_space<vmem>> -> memref<1x128x128xf32, #tpu.memory_space<vmem>>
    %dma_wait3A_169 = tpu.memref_squeeze %dma_wait3A_168 : memref<1x128x128xf32, #tpu.memory_space<vmem>> -> memref<128x128xf32, #tpu.memory_space<vmem>>
    tpu.wait_dma2 semaphore(%arg13 : memref<!tpu.dma_semaphore, #tpu.memory_space<semaphore_mem>>) src(%dma_wait3A_169 : memref<128x128xf32, #tpu.memory_space<vmem>>) dst(%dma_wait3A_165 : memref<128x128xf32, #tpu.memory_space<hbm>>)
    %dma_start3A_170 = arith.constant 48 : i32
    %dma_start3A_171 = arith.constant 0 : i32
    %dma_start3A_172 = arith.constant 0 : i32
    %dma_start3A_173 = arith.constant 0 : i32
    %dma_start3A_174 = tpu.memref_slice %arg6[%dma_start3A_171, %dma_start3A_172, %dma_start3A_173] : memref<6x128x128xf32, #tpu.memory_space<vmem>> -> memref<1x128x128xf32, #tpu.memory_space<vmem>>
    %dma_start3A_175 = tpu.memref_squeeze %dma_start3A_174 : memref<1x128x128xf32, #tpu.memory_space<vmem>> -> memref<128x128xf32, #tpu.memory_space<vmem>>
    %dma_start3A_176 = arith.constant 0 : i32
    %dma_start3A_177 = tpu.memref_slice %arg5[%dma_start3A_170, %dma_start3A_176] : memref<50x128xi32, #tpu.memory_space<vmem>> -> memref<1x128xi32, #tpu.memory_space<vmem>>
    %dma_start3A_178 = tpu.memref_squeeze %dma_start3A_177 : memref<1x128xi32, #tpu.memory_space<vmem>> -> memref<128xi32, #tpu.memory_space<vmem>>
    %dma_start3A_179 = arith.constant 0 : i32
    %dma_start3A_180 = arith.constant 0 : i32
    %dma_start3A_181 = tpu.memref_slice %arg2[%dma_start3A_179, %dma_start3A_180] : memref<100000x128xf32, #tpu.memory_space<hbm>> -> memref<100000x128xf32, #tpu.memory_space<hbm>>
    tpu.enqueue_indirect_dma source(%dma_start3A_181 : memref<100000x128xf32, #tpu.memory_space<hbm>>) target(%dma_start3A_175 : memref<128x128xf32, #tpu.memory_space<vmem>>) offsets(%dma_start3A_178 : memref<128xi32, #tpu.memory_space<vmem>>) semaphore(%arg7 : memref<!tpu.dma_semaphore, #tpu.memory_space<semaphore_mem>>)
    %dma_wait3A_182 = arith.constant 0 : i32
    %dma_wait3A_183 = arith.constant 2 : i32
    %dma_wait3A_184 = arith.constant 0 : i32
    %dma_wait3A_185 = arith.constant 0 : i32
    %dma_wait3A_186 = tpu.memref_slice %arg6[%dma_wait3A_183, %dma_wait3A_184, %dma_wait3A_185] : memref<6x128x128xf32, #tpu.memory_space<vmem>> -> memref<1x128x128xf32, #tpu.memory_space<vmem>>
    %dma_wait3A_187 = tpu.memref_squeeze %dma_wait3A_186 : memref<1x128x128xf32, #tpu.memory_space<vmem>> -> memref<128x128xf32, #tpu.memory_space<vmem>>
    %dma_wait3A_188 = arith.constant 0 : i32
    %dma_wait3A_189 = tpu.memref_slice %arg5[%dma_wait3A_182, %dma_wait3A_188] : memref<50x128xi32, #tpu.memory_space<vmem>> -> memref<1x128xi32, #tpu.memory_space<vmem>>
    %dma_wait3A_190 = tpu.memref_squeeze %dma_wait3A_189 : memref<1x128xi32, #tpu.memory_space<vmem>> -> memref<128xi32, #tpu.memory_space<vmem>>
    %dma_wait3A_191 = arith.constant 0 : i32
    %dma_wait3A_192 = arith.constant 0 : i32
    %dma_wait3A_193 = tpu.memref_slice %arg2[%dma_wait3A_191, %dma_wait3A_192] : memref<100000x128xf32, #tpu.memory_space<hbm>> -> memref<100000x128xf32, #tpu.memory_space<hbm>>
    tpu.wait_indirect_dma semaphore(%arg9 : memref<!tpu.dma_semaphore, #tpu.memory_space<semaphore_mem>>) src(%dma_wait3A_193 : memref<100000x128xf32, #tpu.memory_space<hbm>>) dst(%dma_wait3A_187 : memref<128x128xf32, #tpu.memory_space<vmem>>)
    %dma_start3A_194 = arith.constant 2 : i32
    %dma_start3A_195 = arith.constant 44 : i32
    %dma_start3A_196 = arith.constant 0 : i32
    %dma_start3A_197 = arith.constant 0 : i32
    %dma_start3A_198 = tpu.memref_slice %arg6[%dma_start3A_194, %dma_start3A_196, %dma_start3A_197] : memref<6x128x128xf32, #tpu.memory_space<vmem>> -> memref<1x128x128xf32, #tpu.memory_space<vmem>>
    %dma_start3A_199 = tpu.memref_squeeze %dma_start3A_198 : memref<1x128x128xf32, #tpu.memory_space<vmem>> -> memref<128x128xf32, #tpu.memory_space<vmem>>
    %dma_start3A_200 = arith.constant 0 : i32
    %dma_start3A_201 = tpu.memref_slice %arg4[%dma_start3A_195, %mul3A_2, %dma_start3A_200] : memref<50x4096x128xf32, #tpu.memory_space<hbm>> -> memref<1x128x128xf32, #tpu.memory_space<hbm>>
    %dma_start3A_202 = tpu.memref_squeeze %dma_start3A_201 : memref<1x128x128xf32, #tpu.memory_space<hbm>> -> memref<128x128xf32, #tpu.memory_space<hbm>>
    %dma_start3A_203 = arith.constant 0 : i32
    %dma_start3A_204 = tpu.memref_slice %arg4[%dma_start3A_195, %mul3A_2, %dma_start3A_203] : memref<50x4096x128xf32, #tpu.memory_space<hbm>> -> memref<1x128x128xf32, #tpu.memory_space<hbm>>
    %dma_start3A_205 = tpu.memref_squeeze %dma_start3A_204 : memref<1x128x128xf32, #tpu.memory_space<hbm>> -> memref<128x128xf32, #tpu.memory_space<hbm>>
    %dma_start3A_206 = arith.constant 0 : i32
    %dma_start3A_207 = arith.constant 0 : i32
    %dma_start3A_208 = tpu.memref_slice %arg6[%dma_start3A_194, %dma_start3A_206, %dma_start3A_207] : memref<6x128x128xf32, #tpu.memory_space<vmem>> -> memref<1x128x128xf32, #tpu.memory_space<vmem>>
    %dma_start3A_209 = tpu.memref_squeeze %dma_start3A_208 : memref<1x128x128xf32, #tpu.memory_space<vmem>> -> memref<128x128xf32, #tpu.memory_space<vmem>>
    tpu.enqueue_dma source(%dma_start3A_209 : memref<128x128xf32, #tpu.memory_space<vmem>>) target(%dma_start3A_205 : memref<128x128xf32, #tpu.memory_space<hbm>>) target_semaphore(%arg15 : memref<!tpu.dma_semaphore, #tpu.memory_space<semaphore_mem>>)
    %dma_wait3A_210 = arith.constant 1 : i32
    %dma_wait3A_211 = arith.constant 0 : i32
    %dma_wait3A_212 = arith.constant 0 : i32
    %dma_wait3A_213 = arith.constant 0 : i32
    %dma_wait3A_214 = tpu.memref_slice %arg6[%dma_wait3A_210, %dma_wait3A_212, %dma_wait3A_213] : memref<6x128x128xf32, #tpu.memory_space<vmem>> -> memref<1x128x128xf32, #tpu.memory_space<vmem>>
    %dma_wait3A_215 = tpu.memref_squeeze %dma_wait3A_214 : memref<1x128x128xf32, #tpu.memory_space<vmem>> -> memref<128x128xf32, #tpu.memory_space<vmem>>
    %dma_wait3A_216 = arith.constant 0 : i32
    %dma_wait3A_217 = tpu.memref_slice %arg4[%dma_wait3A_211, %mul3A_2, %dma_wait3A_216] : memref<50x4096x128xf32, #tpu.memory_space<hbm>> -> memref<1x128x128xf32, #tpu.memory_space<hbm>>
    %dma_wait3A_218 = tpu.memref_squeeze %dma_wait3A_217 : memref<1x128x128xf32, #tpu.memory_space<hbm>> -> memref<128x128xf32, #tpu.memory_space<hbm>>
    %dma_wait3A_219 = arith.constant 0 : i32
    %dma_wait3A_220 = tpu.memref_slice %arg4[%dma_wait3A_211, %mul3A_2, %dma_wait3A_219] : memref<50x4096x128xf32, #tpu.memory_space<hbm>> -> memref<1x128x128xf32, #tpu.memory_space<hbm>>
    %dma_wait3A_221 = tpu.memref_squeeze %dma_wait3A_220 : memref<1x128x128xf32, #tpu.memory_space<hbm>> -> memref<128x128xf32, #tpu.memory_space<hbm>>
    %dma_wait3A_222 = arith.constant 0 : i32
    %dma_wait3A_223 = arith.constant 0 : i32
    %dma_wait3A_224 = tpu.memref_slice %arg6[%dma_wait3A_210, %dma_wait3A_222, %dma_wait3A_223] : memref<6x128x128xf32, #tpu.memory_space<vmem>> -> memref<1x128x128xf32, #tpu.memory_space<vmem>>
    %dma_wait3A_225 = tpu.memref_squeeze %dma_wait3A_224 : memref<1x128x128xf32, #tpu.memory_space<vmem>> -> memref<128x128xf32, #tpu.memory_space<vmem>>
    tpu.wait_dma2 semaphore(%arg14 : memref<!tpu.dma_semaphore, #tpu.memory_space<semaphore_mem>>) src(%dma_wait3A_225 : memref<128x128xf32, #tpu.memory_space<vmem>>) dst(%dma_wait3A_221 : memref<128x128xf32, #tpu.memory_space<hbm>>)
    %dma_start3A_226 = arith.constant 49 : i32
    %dma_start3A_227 = arith.constant 1 : i32
    %dma_start3A_228 = arith.constant 0 : i32
    %dma_start3A_229 = arith.constant 0 : i32
    %dma_start3A_230 = tpu.memref_slice %arg6[%dma_start3A_227, %dma_start3A_228, %dma_start3A_229] : memref<6x128x128xf32, #tpu.memory_space<vmem>> -> memref<1x128x128xf32, #tpu.memory_space<vmem>>
    %dma_start3A_231 = tpu.memref_squeeze %dma_start3A_230 : memref<1x128x128xf32, #tpu.memory_space<vmem>> -> memref<128x128xf32, #tpu.memory_space<vmem>>
    %dma_start3A_232 = arith.constant 0 : i32
    %dma_start3A_233 = tpu.memref_slice %arg5[%dma_start3A_226, %dma_start3A_232] : memref<50x128xi32, #tpu.memory_space<vmem>> -> memref<1x128xi32, #tpu.memory_space<vmem>>
    %dma_start3A_234 = tpu.memref_squeeze %dma_start3A_233 : memref<1x128xi32, #tpu.memory_space<vmem>> -> memref<128xi32, #tpu.memory_space<vmem>>
    %dma_start3A_235 = arith.constant 0 : i32
    %dma_start3A_236 = arith.constant 0 : i32
    %dma_start3A_237 = tpu.memref_slice %arg2[%dma_start3A_235, %dma_start3A_236] : memref<100000x128xf32, #tpu.memory_space<hbm>> -> memref<100000x128xf32, #tpu.memory_space<hbm>>
    tpu.enqueue_indirect_dma source(%dma_start3A_237 : memref<100000x128xf32, #tpu.memory_space<hbm>>) target(%dma_start3A_231 : memref<128x128xf32, #tpu.memory_space<vmem>>) offsets(%dma_start3A_234 : memref<128xi32, #tpu.memory_space<vmem>>) semaphore(%arg8 : memref<!tpu.dma_semaphore, #tpu.memory_space<semaphore_mem>>)
    %dma_wait3A_238 = arith.constant 0 : i32
    %dma_wait3A_239 = arith.constant 3 : i32
    %dma_wait3A_240 = arith.constant 0 : i32
    %dma_wait3A_241 = arith.constant 0 : i32
    %dma_wait3A_242 = tpu.memref_slice %arg6[%dma_wait3A_239, %dma_wait3A_240, %dma_wait3A_241] : memref<6x128x128xf32, #tpu.memory_space<vmem>> -> memref<1x128x128xf32, #tpu.memory_space<vmem>>
    %dma_wait3A_243 = tpu.memref_squeeze %dma_wait3A_242 : memref<1x128x128xf32, #tpu.memory_space<vmem>> -> memref<128x128xf32, #tpu.memory_space<vmem>>
    %dma_wait3A_244 = arith.constant 0 : i32
    %dma_wait3A_245 = tpu.memref_slice %arg5[%dma_wait3A_238, %dma_wait3A_244] : memref<50x128xi32, #tpu.memory_space<vmem>> -> memref<1x128xi32, #tpu.memory_space<vmem>>
    %dma_wait3A_246 = tpu.memref_squeeze %dma_wait3A_245 : memref<1x128xi32, #tpu.memory_space<vmem>> -> memref<128xi32, #tpu.memory_space<vmem>>
    %dma_wait3A_247 = arith.constant 0 : i32
    %dma_wait3A_248 = arith.constant 0 : i32
    %dma_wait3A_249 = tpu.memref_slice %arg2[%dma_wait3A_247, %dma_wait3A_248] : memref<100000x128xf32, #tpu.memory_space<hbm>> -> memref<100000x128xf32, #tpu.memory_space<hbm>>
    tpu.wait_indirect_dma semaphore(%arg10 : memref<!tpu.dma_semaphore, #tpu.memory_space<semaphore_mem>>) src(%dma_wait3A_249 : memref<100000x128xf32, #tpu.memory_space<hbm>>) dst(%dma_wait3A_243 : memref<128x128xf32, #tpu.memory_space<vmem>>)
    %dma_start3A_250 = arith.constant 3 : i32
    %dma_start3A_251 = arith.constant 45 : i32
    %dma_start3A_252 = arith.constant 0 : i32
    %dma_start3A_253 = arith.constant 0 : i32
    %dma_start3A_254 = tpu.memref_slice %arg6[%dma_start3A_250, %dma_start3A_252, %dma_start3A_253] : memref<6x128x128xf32, #tpu.memory_space<vmem>> -> memref<1x128x128xf32, #tpu.memory_space<vmem>>
    %dma_start3A_255 = tpu.memref_squeeze %dma_start3A_254 : memref<1x128x128xf32, #tpu.memory_space<vmem>> -> memref<128x128xf32, #tpu.memory_space<vmem>>
    %dma_start3A_256 = arith.constant 0 : i32
    %dma_start3A_257 = tpu.memref_slice %arg4[%dma_start3A_251, %mul3A_2, %dma_start3A_256] : memref<50x4096x128xf32, #tpu.memory_space<hbm>> -> memref<1x128x128xf32, #tpu.memory_space<hbm>>
    %dma_start3A_258 = tpu.memref_squeeze %dma_start3A_257 : memref<1x128x128xf32, #tpu.memory_space<hbm>> -> memref<128x128xf32, #tpu.memory_space<hbm>>
    %dma_start3A_259 = arith.constant 0 : i32
    %dma_start3A_260 = tpu.memref_slice %arg4[%dma_start3A_251, %mul3A_2, %dma_start3A_259] : memref<50x4096x128xf32, #tpu.memory_space<hbm>> -> memref<1x128x128xf32, #tpu.memory_space<hbm>>
    %dma_start3A_261 = tpu.memref_squeeze %dma_start3A_260 : memref<1x128x128xf32, #tpu.memory_space<hbm>> -> memref<128x128xf32, #tpu.memory_space<hbm>>
    %dma_start3A_262 = arith.constant 0 : i32
    %dma_start3A_263 = arith.constant 0 : i32
    %dma_start3A_264 = tpu.memref_slice %arg6[%dma_start3A_250, %dma_start3A_262, %dma_start3A_263] : memref<6x128x128xf32, #tpu.memory_space<vmem>> -> memref<1x128x128xf32, #tpu.memory_space<vmem>>
    %dma_start3A_265 = tpu.memref_squeeze %dma_start3A_264 : memref<1x128x128xf32, #tpu.memory_space<vmem>> -> memref<128x128xf32, #tpu.memory_space<vmem>>
    tpu.enqueue_dma source(%dma_start3A_265 : memref<128x128xf32, #tpu.memory_space<vmem>>) target(%dma_start3A_261 : memref<128x128xf32, #tpu.memory_space<hbm>>) target_semaphore(%arg16 : memref<!tpu.dma_semaphore, #tpu.memory_space<semaphore_mem>>)
    %dma_wait3A_266 = arith.constant 0 : i32
    %dma_wait3A_267 = arith.constant 4 : i32
    %dma_wait3A_268 = arith.constant 0 : i32
    %dma_wait3A_269 = arith.constant 0 : i32
    %dma_wait3A_270 = tpu.memref_slice %arg6[%dma_wait3A_267, %dma_wait3A_268, %dma_wait3A_269] : memref<6x128x128xf32, #tpu.memory_space<vmem>> -> memref<1x128x128xf32, #tpu.memory_space<vmem>>
    %dma_wait3A_271 = tpu.memref_squeeze %dma_wait3A_270 : memref<1x128x128xf32, #tpu.memory_space<vmem>> -> memref<128x128xf32, #tpu.memory_space<vmem>>
    %dma_wait3A_272 = arith.constant 0 : i32
    %dma_wait3A_273 = tpu.memref_slice %arg5[%dma_wait3A_266, %dma_wait3A_272] : memref<50x128xi32, #tpu.memory_space<vmem>> -> memref<1x128xi32, #tpu.memory_space<vmem>>
    %dma_wait3A_274 = tpu.memref_squeeze %dma_wait3A_273 : memref<1x128xi32, #tpu.memory_space<vmem>> -> memref<128xi32, #tpu.memory_space<vmem>>
    %dma_wait3A_275 = arith.constant 0 : i32
    %dma_wait3A_276 = arith.constant 0 : i32
    %dma_wait3A_277 = tpu.memref_slice %arg2[%dma_wait3A_275, %dma_wait3A_276] : memref<100000x128xf32, #tpu.memory_space<hbm>> -> memref<100000x128xf32, #tpu.memory_space<hbm>>
    tpu.wait_indirect_dma semaphore(%arg11 : memref<!tpu.dma_semaphore, #tpu.memory_space<semaphore_mem>>) src(%dma_wait3A_277 : memref<100000x128xf32, #tpu.memory_space<hbm>>) dst(%dma_wait3A_271 : memref<128x128xf32, #tpu.memory_space<vmem>>)
    %dma_start3A_278 = arith.constant 4 : i32
    %dma_start3A_279 = arith.constant 46 : i32
    %dma_start3A_280 = arith.constant 0 : i32
    %dma_start3A_281 = arith.constant 0 : i32
    %dma_start3A_282 = tpu.memref_slice %arg6[%dma_start3A_278, %dma_start3A_280, %dma_start3A_281] : memref<6x128x128xf32, #tpu.memory_space<vmem>> -> memref<1x128x128xf32, #tpu.memory_space<vmem>>
    %dma_start3A_283 = tpu.memref_squeeze %dma_start3A_282 : memref<1x128x128xf32, #tpu.memory_space<vmem>> -> memref<128x128xf32, #tpu.memory_space<vmem>>
    %dma_start3A_284 = arith.constant 0 : i32
    %dma_start3A_285 = tpu.memref_slice %arg4[%dma_start3A_279, %mul3A_2, %dma_start3A_284] : memref<50x4096x128xf32, #tpu.memory_space<hbm>> -> memref<1x128x128xf32, #tpu.memory_space<hbm>>
    %dma_start3A_286 = tpu.memref_squeeze %dma_start3A_285 : memref<1x128x128xf32, #tpu.memory_space<hbm>> -> memref<128x128xf32, #tpu.memory_space<hbm>>
    %dma_start3A_287 = arith.constant 0 : i32
    %dma_start3A_288 = tpu.memref_slice %arg4[%dma_start3A_279, %mul3A_2, %dma_start3A_287] : memref<50x4096x128xf32, #tpu.memory_space<hbm>> -> memref<1x128x128xf32, #tpu.memory_space<hbm>>
    %dma_start3A_289 = tpu.memref_squeeze %dma_start3A_288 : memref<1x128x128xf32, #tpu.memory_space<hbm>> -> memref<128x128xf32, #tpu.memory_space<hbm>>
    %dma_start3A_290 = arith.constant 0 : i32
    %dma_start3A_291 = arith.constant 0 : i32
    %dma_start3A_292 = tpu.memref_slice %arg6[%dma_start3A_278, %dma_start3A_290, %dma_start3A_291] : memref<6x128x128xf32, #tpu.memory_space<vmem>> -> memref<1x128x128xf32, #tpu.memory_space<vmem>>
    %dma_start3A_293 = tpu.memref_squeeze %dma_start3A_292 : memref<1x128x128xf32, #tpu.memory_space<vmem>> -> memref<128x128xf32, #tpu.memory_space<vmem>>
    tpu.enqueue_dma source(%dma_start3A_293 : memref<128x128xf32, #tpu.memory_space<vmem>>) target(%dma_start3A_289 : memref<128x128xf32, #tpu.memory_space<hbm>>) target_semaphore(%arg17 : memref<!tpu.dma_semaphore, #tpu.memory_space<semaphore_mem>>)
    %dma_wait3A_294 = arith.constant 0 : i32
    %dma_wait3A_295 = arith.constant 5 : i32
    %dma_wait3A_296 = arith.constant 0 : i32
    %dma_wait3A_297 = arith.constant 0 : i32
    %dma_wait3A_298 = tpu.memref_slice %arg6[%dma_wait3A_295, %dma_wait3A_296, %dma_wait3A_297] : memref<6x128x128xf32, #tpu.memory_space<vmem>> -> memref<1x128x128xf32, #tpu.memory_space<vmem>>
    %dma_wait3A_299 = tpu.memref_squeeze %dma_wait3A_298 : memref<1x128x128xf32, #tpu.memory_space<vmem>> -> memref<128x128xf32, #tpu.memory_space<vmem>>
    %dma_wait3A_300 = arith.constant 0 : i32
    %dma_wait3A_301 = tpu.memref_slice %arg5[%dma_wait3A_294, %dma_wait3A_300] : memref<50x128xi32, #tpu.memory_space<vmem>> -> memref<1x128xi32, #tpu.memory_space<vmem>>
    %dma_wait3A_302 = tpu.memref_squeeze %dma_wait3A_301 : memref<1x128xi32, #tpu.memory_space<vmem>> -> memref<128xi32, #tpu.memory_space<vmem>>
    %dma_wait3A_303 = arith.constant 0 : i32
    %dma_wait3A_304 = arith.constant 0 : i32
    %dma_wait3A_305 = tpu.memref_slice %arg2[%dma_wait3A_303, %dma_wait3A_304] : memref<100000x128xf32, #tpu.memory_space<hbm>> -> memref<100000x128xf32, #tpu.memory_space<hbm>>
    tpu.wait_indirect_dma semaphore(%arg12 : memref<!tpu.dma_semaphore, #tpu.memory_space<semaphore_mem>>) src(%dma_wait3A_305 : memref<100000x128xf32, #tpu.memory_space<hbm>>) dst(%dma_wait3A_299 : memref<128x128xf32, #tpu.memory_space<vmem>>)
    %dma_start3A_306 = arith.constant 5 : i32
    %dma_start3A_307 = arith.constant 47 : i32
    %dma_start3A_308 = arith.constant 0 : i32
    %dma_start3A_309 = arith.constant 0 : i32
    %dma_start3A_310 = tpu.memref_slice %arg6[%dma_start3A_306, %dma_start3A_308, %dma_start3A_309] : memref<6x128x128xf32, #tpu.memory_space<vmem>> -> memref<1x128x128xf32, #tpu.memory_space<vmem>>
    %dma_start3A_311 = tpu.memref_squeeze %dma_start3A_310 : memref<1x128x128xf32, #tpu.memory_space<vmem>> -> memref<128x128xf32, #tpu.memory_space<vmem>>
    %dma_start3A_312 = arith.constant 0 : i32
    %dma_start3A_313 = tpu.memref_slice %arg4[%dma_start3A_307, %mul3A_2, %dma_start3A_312] : memref<50x4096x128xf32, #tpu.memory_space<hbm>> -> memref<1x128x128xf32, #tpu.memory_space<hbm>>
    %dma_start3A_314 = tpu.memref_squeeze %dma_start3A_313 : memref<1x128x128xf32, #tpu.memory_space<hbm>> -> memref<128x128xf32, #tpu.memory_space<hbm>>
    %dma_start3A_315 = arith.constant 0 : i32
    %dma_start3A_316 = tpu.memref_slice %arg4[%dma_start3A_307, %mul3A_2, %dma_start3A_315] : memref<50x4096x128xf32, #tpu.memory_space<hbm>> -> memref<1x128x128xf32, #tpu.memory_space<hbm>>
    %dma_start3A_317 = tpu.memref_squeeze %dma_start3A_316 : memref<1x128x128xf32, #tpu.memory_space<hbm>> -> memref<128x128xf32, #tpu.memory_space<hbm>>
    %dma_start3A_318 = arith.constant 0 : i32
    %dma_start3A_319 = arith.constant 0 : i32
    %dma_start3A_320 = tpu.memref_slice %arg6[%dma_start3A_306, %dma_start3A_318, %dma_start3A_319] : memref<6x128x128xf32, #tpu.memory_space<vmem>> -> memref<1x128x128xf32, #tpu.memory_space<vmem>>
    %dma_start3A_321 = tpu.memref_squeeze %dma_start3A_320 : memref<1x128x128xf32, #tpu.memory_space<vmem>> -> memref<128x128xf32, #tpu.memory_space<vmem>>
    tpu.enqueue_dma source(%dma_start3A_321 : memref<128x128xf32, #tpu.memory_space<vmem>>) target(%dma_start3A_317 : memref<128x128xf32, #tpu.memory_space<hbm>>) target_semaphore(%arg18 : memref<!tpu.dma_semaphore, #tpu.memory_space<semaphore_mem>>)
    %dma_wait3A_322 = arith.constant 0 : i32
    %dma_wait3A_323 = arith.constant 0 : i32
    %dma_wait3A_324 = arith.constant 0 : i32
    %dma_wait3A_325 = arith.constant 0 : i32
    %dma_wait3A_326 = tpu.memref_slice %arg6[%dma_wait3A_323, %dma_wait3A_324, %dma_wait3A_325] : memref<6x128x128xf32, #tpu.memory_space<vmem>> -> memref<1x128x128xf32, #tpu.memory_space<vmem>>
    %dma_wait3A_327 = tpu.memref_squeeze %dma_wait3A_326 : memref<1x128x128xf32, #tpu.memory_space<vmem>> -> memref<128x128xf32, #tpu.memory_space<vmem>>
    %dma_wait3A_328 = arith.constant 0 : i32
    %dma_wait3A_329 = tpu.memref_slice %arg5[%dma_wait3A_322, %dma_wait3A_328] : memref<50x128xi32, #tpu.memory_space<vmem>> -> memref<1x128xi32, #tpu.memory_space<vmem>>
    %dma_wait3A_330 = tpu.memref_squeeze %dma_wait3A_329 : memref<1x128xi32, #tpu.memory_space<vmem>> -> memref<128xi32, #tpu.memory_space<vmem>>
    %dma_wait3A_331 = arith.constant 0 : i32
    %dma_wait3A_332 = arith.constant 0 : i32
    %dma_wait3A_333 = tpu.memref_slice %arg2[%dma_wait3A_331, %dma_wait3A_332] : memref<100000x128xf32, #tpu.memory_space<hbm>> -> memref<100000x128xf32, #tpu.memory_space<hbm>>
    tpu.wait_indirect_dma semaphore(%arg7 : memref<!tpu.dma_semaphore, #tpu.memory_space<semaphore_mem>>) src(%dma_wait3A_333 : memref<100000x128xf32, #tpu.memory_space<hbm>>) dst(%dma_wait3A_327 : memref<128x128xf32, #tpu.memory_space<vmem>>)
    %dma_start3A_334 = arith.constant 0 : i32
    %dma_start3A_335 = arith.constant 48 : i32
    %dma_start3A_336 = arith.constant 0 : i32
    %dma_start3A_337 = arith.constant 0 : i32
    %dma_start3A_338 = tpu.memref_slice %arg6[%dma_start3A_334, %dma_start3A_336, %dma_start3A_337] : memref<6x128x128xf32, #tpu.memory_space<vmem>> -> memref<1x128x128xf32, #tpu.memory_space<vmem>>
    %dma_start3A_339 = tpu.memref_squeeze %dma_start3A_338 : memref<1x128x128xf32, #tpu.memory_space<vmem>> -> memref<128x128xf32, #tpu.memory_space<vmem>>
    %dma_start3A_340 = arith.constant 0 : i32
    %dma_start3A_341 = tpu.memref_slice %arg4[%dma_start3A_335, %mul3A_2, %dma_start3A_340] : memref<50x4096x128xf32, #tpu.memory_space<hbm>> -> memref<1x128x128xf32, #tpu.memory_space<hbm>>
    %dma_start3A_342 = tpu.memref_squeeze %dma_start3A_341 : memref<1x128x128xf32, #tpu.memory_space<hbm>> -> memref<128x128xf32, #tpu.memory_space<hbm>>
    %dma_start3A_343 = arith.constant 0 : i32
    %dma_start3A_344 = tpu.memref_slice %arg4[%dma_start3A_335, %mul3A_2, %dma_start3A_343] : memref<50x4096x128xf32, #tpu.memory_space<hbm>> -> memref<1x128x128xf32, #tpu.memory_space<hbm>>
    %dma_start3A_345 = tpu.memref_squeeze %dma_start3A_344 : memref<1x128x128xf32, #tpu.memory_space<hbm>> -> memref<128x128xf32, #tpu.memory_space<hbm>>
    %dma_start3A_346 = arith.constant 0 : i32
    %dma_start3A_347 = arith.constant 0 : i32
    %dma_start3A_348 = tpu.memref_slice %arg6[%dma_start3A_334, %dma_start3A_346, %dma_start3A_347] : memref<6x128x128xf32, #tpu.memory_space<vmem>> -> memref<1x128x128xf32, #tpu.memory_space<vmem>>
    %dma_start3A_349 = tpu.memref_squeeze %dma_start3A_348 : memref<1x128x128xf32, #tpu.memory_space<vmem>> -> memref<128x128xf32, #tpu.memory_space<vmem>>
    tpu.enqueue_dma source(%dma_start3A_349 : memref<128x128xf32, #tpu.memory_space<vmem>>) target(%dma_start3A_345 : memref<128x128xf32, #tpu.memory_space<hbm>>) target_semaphore(%arg13 : memref<!tpu.dma_semaphore, #tpu.memory_space<semaphore_mem>>)
    %dma_wait3A_350 = arith.constant 0 : i32
    %dma_wait3A_351 = arith.constant 1 : i32
    %dma_wait3A_352 = arith.constant 0 : i32
    %dma_wait3A_353 = arith.constant 0 : i32
    %dma_wait3A_354 = tpu.memref_slice %arg6[%dma_wait3A_351, %dma_wait3A_352, %dma_wait3A_353] : memref<6x128x128xf32, #tpu.memory_space<vmem>> -> memref<1x128x128xf32, #tpu.memory_space<vmem>>
    %dma_wait3A_355 = tpu.memref_squeeze %dma_wait3A_354 : memref<1x128x128xf32, #tpu.memory_space<vmem>> -> memref<128x128xf32, #tpu.memory_space<vmem>>
    %dma_wait3A_356 = arith.constant 0 : i32
    %dma_wait3A_357 = tpu.memref_slice %arg5[%dma_wait3A_350, %dma_wait3A_356] : memref<50x128xi32, #tpu.memory_space<vmem>> -> memref<1x128xi32, #tpu.memory_space<vmem>>
    %dma_wait3A_358 = tpu.memref_squeeze %dma_wait3A_357 : memref<1x128xi32, #tpu.memory_space<vmem>> -> memref<128xi32, #tpu.memory_space<vmem>>
    %dma_wait3A_359 = arith.constant 0 : i32
    %dma_wait3A_360 = arith.constant 0 : i32
    %dma_wait3A_361 = tpu.memref_slice %arg2[%dma_wait3A_359, %dma_wait3A_360] : memref<100000x128xf32, #tpu.memory_space<hbm>> -> memref<100000x128xf32, #tpu.memory_space<hbm>>
    tpu.wait_indirect_dma semaphore(%arg8 : memref<!tpu.dma_semaphore, #tpu.memory_space<semaphore_mem>>) src(%dma_wait3A_361 : memref<100000x128xf32, #tpu.memory_space<hbm>>) dst(%dma_wait3A_355 : memref<128x128xf32, #tpu.memory_space<vmem>>)
    %dma_start3A_362 = arith.constant 1 : i32
    %dma_start3A_363 = arith.constant 49 : i32
    %dma_start3A_364 = arith.constant 0 : i32
    %dma_start3A_365 = arith.constant 0 : i32
    %dma_start3A_366 = tpu.memref_slice %arg6[%dma_start3A_362, %dma_start3A_364, %dma_start3A_365] : memref<6x128x128xf32, #tpu.memory_space<vmem>> -> memref<1x128x128xf32, #tpu.memory_space<vmem>>
    %dma_start3A_367 = tpu.memref_squeeze %dma_start3A_366 : memref<1x128x128xf32, #tpu.memory_space<vmem>> -> memref<128x128xf32, #tpu.memory_space<vmem>>
    %dma_start3A_368 = arith.constant 0 : i32
    %dma_start3A_369 = tpu.memref_slice %arg4[%dma_start3A_363, %mul3A_2, %dma_start3A_368] : memref<50x4096x128xf32, #tpu.memory_space<hbm>> -> memref<1x128x128xf32, #tpu.memory_space<hbm>>
    %dma_start3A_370 = tpu.memref_squeeze %dma_start3A_369 : memref<1x128x128xf32, #tpu.memory_space<hbm>> -> memref<128x128xf32, #tpu.memory_space<hbm>>
    %dma_start3A_371 = arith.constant 0 : i32
    %dma_start3A_372 = tpu.memref_slice %arg4[%dma_start3A_363, %mul3A_2, %dma_start3A_371] : memref<50x4096x128xf32, #tpu.memory_space<hbm>> -> memref<1x128x128xf32, #tpu.memory_space<hbm>>
    %dma_start3A_373 = tpu.memref_squeeze %dma_start3A_372 : memref<1x128x128xf32, #tpu.memory_space<hbm>> -> memref<128x128xf32, #tpu.memory_space<hbm>>
    %dma_start3A_374 = arith.constant 0 : i32
    %dma_start3A_375 = arith.constant 0 : i32
    %dma_start3A_376 = tpu.memref_slice %arg6[%dma_start3A_362, %dma_start3A_374, %dma_start3A_375] : memref<6x128x128xf32, #tpu.memory_space<vmem>> -> memref<1x128x128xf32, #tpu.memory_space<vmem>>
    %dma_start3A_377 = tpu.memref_squeeze %dma_start3A_376 : memref<1x128x128xf32, #tpu.memory_space<vmem>> -> memref<128x128xf32, #tpu.memory_space<vmem>>
    tpu.enqueue_dma source(%dma_start3A_377 : memref<128x128xf32, #tpu.memory_space<vmem>>) target(%dma_start3A_373 : memref<128x128xf32, #tpu.memory_space<hbm>>) target_semaphore(%arg14 : memref<!tpu.dma_semaphore, #tpu.memory_space<semaphore_mem>>)
    %dma_wait3A_378 = arith.constant 0 : i32
    %dma_wait3A_379 = arith.constant 0 : i32
    %dma_wait3A_380 = arith.constant 0 : i32
    %dma_wait3A_381 = arith.constant 0 : i32
    %dma_wait3A_382 = tpu.memref_slice %arg6[%dma_wait3A_378, %dma_wait3A_380, %dma_wait3A_381] : memref<6x128x128xf32, #tpu.memory_space<vmem>> -> memref<1x128x128xf32, #tpu.memory_space<vmem>>
    %dma_wait3A_383 = tpu.memref_squeeze %dma_wait3A_382 : memref<1x128x128xf32, #tpu.memory_space<vmem>> -> memref<128x128xf32, #tpu.memory_space<vmem>>
    %dma_wait3A_384 = arith.constant 0 : i32
    %dma_wait3A_385 = tpu.memref_slice %arg4[%dma_wait3A_379, %mul3A_2, %dma_wait3A_384] : memref<50x4096x128xf32, #tpu.memory_space<hbm>> -> memref<1x128x128xf32, #tpu.memory_space<hbm>>
    %dma_wait3A_386 = tpu.memref_squeeze %dma_wait3A_385 : memref<1x128x128xf32, #tpu.memory_space<hbm>> -> memref<128x128xf32, #tpu.memory_space<hbm>>
    %dma_wait3A_387 = arith.constant 0 : i32
    %dma_wait3A_388 = tpu.memref_slice %arg4[%dma_wait3A_379, %mul3A_2, %dma_wait3A_387] : memref<50x4096x128xf32, #tpu.memory_space<hbm>> -> memref<1x128x128xf32, #tpu.memory_space<hbm>>
    %dma_wait3A_389 = tpu.memref_squeeze %dma_wait3A_388 : memref<1x128x128xf32, #tpu.memory_space<hbm>> -> memref<128x128xf32, #tpu.memory_space<hbm>>
    %dma_wait3A_390 = arith.constant 0 : i32
    %dma_wait3A_391 = arith.constant 0 : i32
    %dma_wait3A_392 = tpu.memref_slice %arg6[%dma_wait3A_378, %dma_wait3A_390, %dma_wait3A_391] : memref<6x128x128xf32, #tpu.memory_space<vmem>> -> memref<1x128x128xf32, #tpu.memory_space<vmem>>
    %dma_wait3A_393 = tpu.memref_squeeze %dma_wait3A_392 : memref<1x128x128xf32, #tpu.memory_space<vmem>> -> memref<128x128xf32, #tpu.memory_space<vmem>>
    tpu.wait_dma2 semaphore(%arg13 : memref<!tpu.dma_semaphore, #tpu.memory_space<semaphore_mem>>) src(%dma_wait3A_393 : memref<128x128xf32, #tpu.memory_space<vmem>>) dst(%dma_wait3A_389 : memref<128x128xf32, #tpu.memory_space<hbm>>)
    %dma_wait3A_394 = arith.constant 1 : i32
    %dma_wait3A_395 = arith.constant 0 : i32
    %dma_wait3A_396 = arith.constant 0 : i32
    %dma_wait3A_397 = arith.constant 0 : i32
    %dma_wait3A_398 = tpu.memref_slice %arg6[%dma_wait3A_394, %dma_wait3A_396, %dma_wait3A_397] : memref<6x128x128xf32, #tpu.memory_space<vmem>> -> memref<1x128x128xf32, #tpu.memory_space<vmem>>
    %dma_wait3A_399 = tpu.memref_squeeze %dma_wait3A_398 : memref<1x128x128xf32, #tpu.memory_space<vmem>> -> memref<128x128xf32, #tpu.memory_space<vmem>>
    %dma_wait3A_400 = arith.constant 0 : i32
    %dma_wait3A_401 = tpu.memref_slice %arg4[%dma_wait3A_395, %mul3A_2, %dma_wait3A_400] : memref<50x4096x128xf32, #tpu.memory_space<hbm>> -> memref<1x128x128xf32, #tpu.memory_space<hbm>>
    %dma_wait3A_402 = tpu.memref_squeeze %dma_wait3A_401 : memref<1x128x128xf32, #tpu.memory_space<hbm>> -> memref<128x128xf32, #tpu.memory_space<hbm>>
    %dma_wait3A_403 = arith.constant 0 : i32
    %dma_wait3A_404 = tpu.memref_slice %arg4[%dma_wait3A_395, %mul3A_2, %dma_wait3A_403] : memref<50x4096x128xf32, #tpu.memory_space<hbm>> -> memref<1x128x128xf32, #tpu.memory_space<hbm>>
    %dma_wait3A_405 = tpu.memref_squeeze %dma_wait3A_404 : memref<1x128x128xf32, #tpu.memory_space<hbm>> -> memref<128x128xf32, #tpu.memory_space<hbm>>
    %dma_wait3A_406 = arith.constant 0 : i32
    %dma_wait3A_407 = arith.constant 0 : i32
    %dma_wait3A_408 = tpu.memref_slice %arg6[%dma_wait3A_394, %dma_wait3A_406, %dma_wait3A_407] : memref<6x128x128xf32, #tpu.memory_space<vmem>> -> memref<1x128x128xf32, #tpu.memory_space<vmem>>
    %dma_wait3A_409 = tpu.memref_squeeze %dma_wait3A_408 : memref<1x128x128xf32, #tpu.memory_space<vmem>> -> memref<128x128xf32, #tpu.memory_space<vmem>>
    tpu.wait_dma2 semaphore(%arg14 : memref<!tpu.dma_semaphore, #tpu.memory_space<semaphore_mem>>) src(%dma_wait3A_409 : memref<128x128xf32, #tpu.memory_space<vmem>>) dst(%dma_wait3A_405 : memref<128x128xf32, #tpu.memory_space<hbm>>)
    %dma_wait3A_410 = arith.constant 2 : i32
    %dma_wait3A_411 = arith.constant 0 : i32
    %dma_wait3A_412 = arith.constant 0 : i32
    %dma_wait3A_413 = arith.constant 0 : i32
    %dma_wait3A_414 = tpu.memref_slice %arg6[%dma_wait3A_410, %dma_wait3A_412, %dma_wait3A_413] : memref<6x128x128xf32, #tpu.memory_space<vmem>> -> memref<1x128x128xf32, #tpu.memory_space<vmem>>
    %dma_wait3A_415 = tpu.memref_squeeze %dma_wait3A_414 : memref<1x128x128xf32, #tpu.memory_space<vmem>> -> memref<128x128xf32, #tpu.memory_space<vmem>>
    %dma_wait3A_416 = arith.constant 0 : i32
    %dma_wait3A_417 = tpu.memref_slice %arg4[%dma_wait3A_411, %mul3A_2, %dma_wait3A_416] : memref<50x4096x128xf32, #tpu.memory_space<hbm>> -> memref<1x128x128xf32, #tpu.memory_space<hbm>>
    %dma_wait3A_418 = tpu.memref_squeeze %dma_wait3A_417 : memref<1x128x128xf32, #tpu.memory_space<hbm>> -> memref<128x128xf32, #tpu.memory_space<hbm>>
    %dma_wait3A_419 = arith.constant 0 : i32
    %dma_wait3A_420 = tpu.memref_slice %arg4[%dma_wait3A_411, %mul3A_2, %dma_wait3A_419] : memref<50x4096x128xf32, #tpu.memory_space<hbm>> -> memref<1x128x128xf32, #tpu.memory_space<hbm>>
    %dma_wait3A_421 = tpu.memref_squeeze %dma_wait3A_420 : memref<1x128x128xf32, #tpu.memory_space<hbm>> -> memref<128x128xf32, #tpu.memory_space<hbm>>
    %dma_wait3A_422 = arith.constant 0 : i32
    %dma_wait3A_423 = arith.constant 0 : i32
    %dma_wait3A_424 = tpu.memref_slice %arg6[%dma_wait3A_410, %dma_wait3A_422, %dma_wait3A_423] : memref<6x128x128xf32, #tpu.memory_space<vmem>> -> memref<1x128x128xf32, #tpu.memory_space<vmem>>
    %dma_wait3A_425 = tpu.memref_squeeze %dma_wait3A_424 : memref<1x128x128xf32, #tpu.memory_space<vmem>> -> memref<128x128xf32, #tpu.memory_space<vmem>>
    tpu.wait_dma2 semaphore(%arg15 : memref<!tpu.dma_semaphore, #tpu.memory_space<semaphore_mem>>) src(%dma_wait3A_425 : memref<128x128xf32, #tpu.memory_space<vmem>>) dst(%dma_wait3A_421 : memref<128x128xf32, #tpu.memory_space<hbm>>)
    %dma_wait3A_426 = arith.constant 3 : i32
    %dma_wait3A_427 = arith.constant 0 : i32
    %dma_wait3A_428 = arith.constant 0 : i32
    %dma_wait3A_429 = arith.constant 0 : i32
    %dma_wait3A_430 = tpu.memref_slice %arg6[%dma_wait3A_426, %dma_wait3A_428, %dma_wait3A_429] : memref<6x128x128xf32, #tpu.memory_space<vmem>> -> memref<1x128x128xf32, #tpu.memory_space<vmem>>
    %dma_wait3A_431 = tpu.memref_squeeze %dma_wait3A_430 : memref<1x128x128xf32, #tpu.memory_space<vmem>> -> memref<128x128xf32, #tpu.memory_space<vmem>>
    %dma_wait3A_432 = arith.constant 0 : i32
    %dma_wait3A_433 = tpu.memref_slice %arg4[%dma_wait3A_427, %mul3A_2, %dma_wait3A_432] : memref<50x4096x128xf32, #tpu.memory_space<hbm>> -> memref<1x128x128xf32, #tpu.memory_space<hbm>>
    %dma_wait3A_434 = tpu.memref_squeeze %dma_wait3A_433 : memref<1x128x128xf32, #tpu.memory_space<hbm>> -> memref<128x128xf32, #tpu.memory_space<hbm>>
    %dma_wait3A_435 = arith.constant 0 : i32
    %dma_wait3A_436 = tpu.memref_slice %arg4[%dma_wait3A_427, %mul3A_2, %dma_wait3A_435] : memref<50x4096x128xf32, #tpu.memory_space<hbm>> -> memref<1x128x128xf32, #tpu.memory_space<hbm>>
    %dma_wait3A_437 = tpu.memref_squeeze %dma_wait3A_436 : memref<1x128x128xf32, #tpu.memory_space<hbm>> -> memref<128x128xf32, #tpu.memory_space<hbm>>
    %dma_wait3A_438 = arith.constant 0 : i32
    %dma_wait3A_439 = arith.constant 0 : i32
    %dma_wait3A_440 = tpu.memref_slice %arg6[%dma_wait3A_426, %dma_wait3A_438, %dma_wait3A_439] : memref<6x128x128xf32, #tpu.memory_space<vmem>> -> memref<1x128x128xf32, #tpu.memory_space<vmem>>
    %dma_wait3A_441 = tpu.memref_squeeze %dma_wait3A_440 : memref<1x128x128xf32, #tpu.memory_space<vmem>> -> memref<128x128xf32, #tpu.memory_space<vmem>>
    tpu.wait_dma2 semaphore(%arg16 : memref<!tpu.dma_semaphore, #tpu.memory_space<semaphore_mem>>) src(%dma_wait3A_441 : memref<128x128xf32, #tpu.memory_space<vmem>>) dst(%dma_wait3A_437 : memref<128x128xf32, #tpu.memory_space<hbm>>)
    %dma_wait3A_442 = arith.constant 4 : i32
    %dma_wait3A_443 = arith.constant 0 : i32
    %dma_wait3A_444 = arith.constant 0 : i32
    %dma_wait3A_445 = arith.constant 0 : i32
    %dma_wait3A_446 = tpu.memref_slice %arg6[%dma_wait3A_442, %dma_wait3A_444, %dma_wait3A_445] : memref<6x128x128xf32, #tpu.memory_space<vmem>> -> memref<1x128x128xf32, #tpu.memory_space<vmem>>
    %dma_wait3A_447 = tpu.memref_squeeze %dma_wait3A_446 : memref<1x128x128xf32, #tpu.memory_space<vmem>> -> memref<128x128xf32, #tpu.memory_space<vmem>>
    %dma_wait3A_448 = arith.constant 0 : i32
    %dma_wait3A_449 = tpu.memref_slice %arg4[%dma_wait3A_443, %mul3A_2, %dma_wait3A_448] : memref<50x4096x128xf32, #tpu.memory_space<hbm>> -> memref<1x128x128xf32, #tpu.memory_space<hbm>>
    %dma_wait3A_450 = tpu.memref_squeeze %dma_wait3A_449 : memref<1x128x128xf32, #tpu.memory_space<hbm>> -> memref<128x128xf32, #tpu.memory_space<hbm>>
    %dma_wait3A_451 = arith.constant 0 : i32
    %dma_wait3A_452 = tpu.memref_slice %arg4[%dma_wait3A_443, %mul3A_2, %dma_wait3A_451] : memref<50x4096x128xf32, #tpu.memory_space<hbm>> -> memref<1x128x128xf32, #tpu.memory_space<hbm>>
    %dma_wait3A_453 = tpu.memref_squeeze %dma_wait3A_452 : memref<1x128x128xf32, #tpu.memory_space<hbm>> -> memref<128x128xf32, #tpu.memory_space<hbm>>
    %dma_wait3A_454 = arith.constant 0 : i32
    %dma_wait3A_455 = arith.constant 0 : i32
    %dma_wait3A_456 = tpu.memref_slice %arg6[%dma_wait3A_442, %dma_wait3A_454, %dma_wait3A_455] : memref<6x128x128xf32, #tpu.memory_space<vmem>> -> memref<1x128x128xf32, #tpu.memory_space<vmem>>
    %dma_wait3A_457 = tpu.memref_squeeze %dma_wait3A_456 : memref<1x128x128xf32, #tpu.memory_space<vmem>> -> memref<128x128xf32, #tpu.memory_space<vmem>>
    tpu.wait_dma2 semaphore(%arg17 : memref<!tpu.dma_semaphore, #tpu.memory_space<semaphore_mem>>) src(%dma_wait3A_457 : memref<128x128xf32, #tpu.memory_space<vmem>>) dst(%dma_wait3A_453 : memref<128x128xf32, #tpu.memory_space<hbm>>)
    %dma_wait3A_458 = arith.constant 5 : i32
    %dma_wait3A_459 = arith.constant 0 : i32
    %dma_wait3A_460 = arith.constant 0 : i32
    %dma_wait3A_461 = arith.constant 0 : i32
    %dma_wait3A_462 = tpu.memref_slice %arg6[%dma_wait3A_458, %dma_wait3A_460, %dma_wait3A_461] : memref<6x128x128xf32, #tpu.memory_space<vmem>> -> memref<1x128x128xf32, #tpu.memory_space<vmem>>
    %dma_wait3A_463 = tpu.memref_squeeze %dma_wait3A_462 : memref<1x128x128xf32, #tpu.memory_space<vmem>> -> memref<128x128xf32, #tpu.memory_space<vmem>>
    %dma_wait3A_464 = arith.constant 0 : i32
    %dma_wait3A_465 = tpu.memref_slice %arg4[%dma_wait3A_459, %mul3A_2, %dma_wait3A_464] : memref<50x4096x128xf32, #tpu.memory_space<hbm>> -> memref<1x128x128xf32, #tpu.memory_space<hbm>>
    %dma_wait3A_466 = tpu.memref_squeeze %dma_wait3A_465 : memref<1x128x128xf32, #tpu.memory_space<hbm>> -> memref<128x128xf32, #tpu.memory_space<hbm>>
    %dma_wait3A_467 = arith.constant 0 : i32
    %dma_wait3A_468 = tpu.memref_slice %arg4[%dma_wait3A_459, %mul3A_2, %dma_wait3A_467] : memref<50x4096x128xf32, #tpu.memory_space<hbm>> -> memref<1x128x128xf32, #tpu.memory_space<hbm>>
    %dma_wait3A_469 = tpu.memref_squeeze %dma_wait3A_468 : memref<1x128x128xf32, #tpu.memory_space<hbm>> -> memref<128x128xf32, #tpu.memory_space<hbm>>
    %dma_wait3A_470 = arith.constant 0 : i32
    %dma_wait3A_471 = arith.constant 0 : i32
    %dma_wait3A_472 = tpu.memref_slice %arg6[%dma_wait3A_458, %dma_wait3A_470, %dma_wait3A_471] : memref<6x128x128xf32, #tpu.memory_space<vmem>> -> memref<1x128x128xf32, #tpu.memory_space<vmem>>
    %dma_wait3A_473 = tpu.memref_squeeze %dma_wait3A_472 : memref<1x128x128xf32, #tpu.memory_space<vmem>> -> memref<128x128xf32, #tpu.memory_space<vmem>>
    tpu.wait_dma2 semaphore(%arg18 : memref<!tpu.dma_semaphore, #tpu.memory_space<semaphore_mem>>) src(%dma_wait3A_473 : memref<128x128xf32, #tpu.memory_space<vmem>>) dst(%dma_wait3A_469 : memref<128x128xf32, #tpu.memory_space<hbm>>)
    return
  }
}

</mosaic_0001>

<sc_bundles>
// kernel: kernel.3.cloned.1.call-start
scs
__scs_entry_jumppad:
0x0: {  	(pc) =	sbr.rel $0x88, $3  }
0x1: {  	(tag) =	ssettag $0x0;
	lr =	simm.s32 $0x1  }
0x2: {  	[smem:$0x3F9F] =	sst lr;
	_ =	strace $0xD0000000  }
0x3: {  	_ = 	snop  }
0x4: {  	_ = 	snop  }
0x5: {  	_ = 	snop  }
0x6: {  	_ = 	snop  }
0x7: {  	_ = 	snop  }
__scs_overlays_trampoline_lowered:
0x8: {  	[smem:$0x3FAE] =	sst s0  }
0x9: {  	[smem:$0x3FAF] =	sst s1  }
0xa: {  	[smem:$0x3FB0] =	sst s2  }
0xb: {  	[smem:$0x3FB1] =	sst s3  }
0xc: {  	[smem:$0x3FB2] =	sst s4  }
0xd: {  	[smem:$0x3FB3] =	sst s5  }
0xe: {  	[smem:$0x3FB4] =	sst s6  }
0xf: {  	[smem:$0x3FB5] =	sst s7  }
0x10: {  	[smem:$0x3FB6] =	sst s8  }
0x11: {  	[smem:$0x3FB7] =	sst s9;
	s0 =	simm.s32 @!p0 $0x0  }
0x12: {  	s1 =	sld [smem:$0x3F9D];
	s0 =	simm.s32 @p0 $0x1  }
0x13: {  	[smem:$0x3FB8] =	sst s0;
	s0 =	simm.s32 @!p1 $0x0  }
0x14: {  	s2 =	sld [smem:$0x3F9C];
	s0 =	simm.s32 @p1 $0x1  }
0x15: {  	[smem:$0x3FB9] =	sst s0;
	s0 =	simm.s32 @!p2 $0x0  }
0x16: {  	s3 =	sld [smem:$0x3FDB];
	s0 =	simm.s32 @p2 $0x1  }
0x17: {  	s4 =	simm.s32 $0x1BF5;
	[smem:$0x3FBB] =	sst s0  }
0x18: {  	s0 =	sld [smem:$0x3F9E];
	_ =	swait.ge [sflag:s4], $0x0  }
0x19: {  	s7 =	sld [smem:$0x3F9F]  }
0x1a: {  	s8 =	sadd.s32 $0xFFFFE003, lr  }
0x1b: {  	s9 =	sadd.s32 $0xFFFFFEF7, lr;
	s5 =	simm.s32 $0xFFFFFFFF;
	p2 =	slt.u32 s8, $0xFFFFF086  }
0x1c: {  	p1 =	slt.u32 s9, $0xF7A;
	s5 =	simm.s32 @!p2 $0x0  }
0x1d: {  	s5 =	simm.s32 @p1 $0x1;
	p0 =	seq.s32 s7, s2  }
0x1e: {  	s7 =	smul.u32 @!p0 $0xF7A, s2;
	p2 =	seq.s32 @!p0 s5, $0x0  }
0x1f: {  	s9 =	smul.u32 $0xF7A, s1;
	s8 =	simm.s32 @!p0 $0x1BF5;
	p2 =	por !p2, p0  }
0x20: {  	[sflag:s8] =	ssyncset.s32 @!p0 $0xFFFFF086;
	s6 =	sadd.s32 @!p0 s3, s7;
	s7 =	simm.s32 @!p0 $0x108  }
0x21: {  	s3 =	sadd.s32 s3, s9;
	s6 =	sadd.s32 @!p0 $0x88, s6;
	s7 =	simm.s32 @p2 $0x1082  }
0x22: {  	[simem:s7], [sflag:s8] =	dma.local @!p0 [hbm:s6], $0xF7A  }
0x23: {  	s9 =	sor.u32 $0xD0000000, s2;
	s6 =	simm.s32 $0x108;
	_ =	swait.ge @!p0 [sflag:s8], $0x0  }
0x24: {  	s3 =	sadd.s32 $0x88, s3;
	s6 =	simm.s32 @!p1 $0x1082;
	[sflag:s4] =	ssyncset.s32 $0xFFFFF086  }
0x25: {  	[simem:s6], [sflag:s4] =	dma.local [hbm:s3], $0xF7A  }
0x26: {  	[smem:$0x3F9F] =	sst s1;
	(tag) =	ssettag s2;
	_ =	strace s9  }
0x27: {  	s1 =	sld [smem:$0x3FAF]  }
0x28: {  	s2 =	sld [smem:$0x3FB0]  }
0x29: {  	s4 =	sld [smem:$0x3FB2]  }
0x2a: {  	p0 =	seq.s32 s5, $0x0;
	s5 =	sld [smem:$0x3FB3]  }
0x2b: {  	s6 =	sld [smem:$0x3FB4]  }
0x2c: {  	s7 =	sld [smem:$0x3FB5]  }
0x2d: {  	s3 =	simm.s32 $0x108;
	s8 =	sld [smem:$0x3FB6]  }
0x2e: {  	s3 =	simm.s32 @!p0 $0x1082;
	s9 =	sld [smem:$0x3FB7]  }
0x2f: {  	lr =	sadd.s32 s0, s3;
	s0 =	sld [smem:$0x3FAE]  }
0x30: {  	s3 =	sld [smem:$0x3FB1]  }
0x31: {  	[smem:$0x3FBA] =	sst s10  }
0x32: {  	s10 =	sld [smem:$0x3FB8];
	_ =	sdelay $0x3  }
0x33: {  	p0 =	seq.s32 s10, $0x1;
	s10 =	sld [smem:$0x3FBA];
	_ =	sdelay $0x3  }
0x34: {  	[smem:$0x3FBA] =	sst s10  }
0x35: {  	s10 =	sld [smem:$0x3FB9];
	_ =	sdelay $0x3  }
0x36: {  	p1 =	seq.s32 s10, $0x1;
	s10 =	sld [smem:$0x3FBA];
	_ =	sdelay $0x3  }
0x37: {  	[smem:$0x3FBA] =	sst s10  }
0x38: {  	s10 =	sld [smem:$0x3FBB]  }
0x39: {  	_ = 	snop;
	(pc) =	sbr.ind lr, $3  }
0x3a: {  	_ = 	snop  }
0x3b: {  	_ = 	snop  }
0x3c: {  	p2 =	seq.s32 s10, $0x1;
	s10 =	sld [smem:$0x3FBA]  }
0x3d: {  	_ =	shalt  }
0x3e: {  	_ =	shalt  }
0x3f: {  	_ =	shalt  }
0x40: {  	_ =	shalt  }
0x41: {  	_ =	shalt  }
0x42: {  	_ =	shalt  }
0x43: {  	_ =	shalt  }
0x44: {  	_ =	shalt  }
0x45: {  	_ =	shalt  }
0x46: {  	_ =	shalt  }
0x47: {  	_ =	shalt  }
0x48: {  	_ =	shalt  }
0x49: {  	_ =	shalt  }
0x4a: {  	_ =	shalt  }
0x4b: {  	_ =	shalt  }
0x4c: {  	_ =	shalt  }
0x4d: {  	_ =	shalt  }
0x4e: {  	_ =	shalt  }
0x4f: {  	_ =	shalt  }
0x50: {  	_ =	shalt  }
0x51: {  	_ =	shalt  }
0x52: {  	_ =	shalt  }
0x53: {  	_ =	shalt  }
0x54: {  	_ =	shalt  }
0x55: {  	_ =	shalt  }
0x56: {  	_ =	shalt  }
0x57: {  	_ =	shalt  }
0x58: {  	_ =	shalt  }
0x59: {  	_ =	shalt  }
0x5a: {  	_ =	shalt  }
0x5b: {  	_ =	shalt  }
0x5c: {  	_ =	shalt  }
0x5d: {  	_ =	shalt  }
0x5e: {  	_ =	shalt  }
0x5f: {  	_ =	shalt  }
0x60: {  	_ =	shalt  }
0x61: {  	_ =	shalt  }
0x62: {  	_ =	shalt  }
0x63: {  	_ =	shalt  }
0x64: {  	_ =	shalt  }
0x65: {  	_ =	shalt  }
0x66: {  	_ =	shalt  }
0x67: {  	_ =	shalt  }
0x68: {  	_ =	shalt  }
0x69: {  	_ =	shalt  }
0x6a: {  	_ =	shalt  }
0x6b: {  	_ =	shalt  }
0x6c: {  	_ =	shalt  }
0x6d: {  	_ =	shalt  }
0x6e: {  	_ =	shalt  }
0x6f: {  	_ =	shalt  }
0x70: {  	_ =	shalt  }
0x71: {  	_ =	shalt  }
0x72: {  	_ =	shalt  }
0x73: {  	_ =	shalt  }
0x74: {  	_ =	shalt  }
0x75: {  	_ =	shalt  }
0x76: {  	_ =	shalt  }
0x77: {  	_ =	shalt  }
0x78: {  	_ =	shalt  }
0x79: {  	_ =	shalt  }
0x7a: {  	_ =	shalt  }
0x7b: {  	_ =	shalt  }
0x7c: {  	_ =	shalt  }
0x7d: {  	_ =	shalt  }
0x7e: {  	_ =	shalt  }
0x7f: {  	_ =	shalt  }
0x80: {  	_ =	shalt  }
0x81: {  	_ =	shalt  }
0x82: {  	_ =	shalt  }
0x83: {  	_ =	shalt  }
0x84: {  	_ =	shalt  }
0x85: {  	_ =	shalt  }
0x86: {  	_ =	shalt  }
0x87: {  	_ =	shalt  }
.Lfunc_end0:
.L_simem_size_0:
called_computation_lowered:
.L_overlay_start_0:
0x88: {  	s2 =	sld [smem:$0x3FD9]  }
0x89: {  	s3 =	sld [smem:$0x3FFE];
	_ =	sdelay $0x1  }
0x8a: {  	s1 =	srdreg.scid  }
0x8b: {  	s0 =	sand.u32 $0x1, s1  }
0x8c: {  	s18 =	sshll.u32 s0, $0xA;
	s2 =	sadd.s32 s3, s2  }
0x8d: {  	s2 =	sadd.s32 s2, s18  }
0x8e: {  	[smem:$0x3FC6] =	sst s2  }
0x8f: {  	_ = 	snop  }
0x90: {  	s2 =	sld [smem:$0x3FC9]  }
0x91: {  	s19 =	sld [smem:$0x3FC8]  }
0x92: {  	s4 =	sld [smem:$0x3FD0];
	(tm) =	ssettm $0x1  }
0x93: {  	s5 =	sld [smem:$0x3FFB];
	_ =	sdelay $0x3  }
0x94: {  	_ =	strace s5  }
0x95: {  	s5 =	sld [smem:$0x3FFC];
	_ =	sdelay $0x3  }
0x96: {  	_ =	strace s5  }
0x97: {  	s5 =	sld [smem:$0x3FFD];
	_ =	sdelay $0x3  }
0x98: {  	_ =	strace s5  }
0x99: {  	_ =	strace $0x8FFFFFFF  }
0x9a: {  	s20 =	sld [smem:$0x3FDB];
	_ =	sdelay $0x1  }
0x9b: {  	s6 =	simm.s32 $_scs_section_size  }
0x9c: {  	s7 =	simm.s32 $_size__tile_overlayer_lowered;
	s8 =	simm.s32 $_tile_overlayer_lowered  }
0x9d: {  	s23 =	simm.s32 $0x1BFF;
	s22 =	sshll.u32 s8, $0x1;
	s5 =	sadd.s32 s6, s20  }
0x9e: {  	s9 =	simm.s32 $0x0;
	s21 =	sshll.u32 s7, $0x1;
	s7 =	sadd.s32 s22, s5  }
0x9f: {  	[timem:s9], [sflag:s23] =	dma.local [hbm:s7], s21  }
0xa0: {  	_ =	swait.ge [sflag:s23], s21  }
0xa1: {  	s6 =	ssub.s32 $0x0, s21;
	[sflag:s23] =	ssyncset.done $0x0  }
0xa2: {  	[sflag:s23] =	ssyncadd.s32 s6;
	_ =	sdelay $0x1  }
0xa3: {  	s24 =	simm.s32 $0x1B8B  }
0xa4: {  	_ =	swait.ge [sflag:s24], $0x1  }
0xa5: {  	[sflag:s24] =	ssyncset.done $0x0  }
0xa6: {  	s25 =	simm.s32 $0x1B8E;
	[sflag:s24] =	ssyncadd.s32 $0xFFFFFFFF  }
0xa7: {  	s26 =	simm.s32 $execute0_lowered;
	[smem:$0x3FD2] =	sst s25  }
0xa8: {  	s6 =	sshll.u32 s26, $0x1;
	_ =	strace $0x80000046;
	[dreg:$0x1] =	wrdreg $0xFFFFFFFF  }
0xa9: {  	s28 =	simm.s32 $_size_execute0_lowered;
	s5 =	sadd.s32 s5, s6;
	[dreg:$0x0] =	wrdreg $0x0  }
0xaa: {  	s6 =	sshll.u32 s28, $0x1;
	[dreg:$0x2] =	wrdreg s5  }
0xab: {  	[dreg:$0x3] =	wrdreg s6  }
0xac: {  	[dreg:$0x4] =	wrdreg $0xC0  }
0xad: {  	_ =	task [dreg:s9], $0x5FFFF  }
0xae: {  	[dreg:$0x1] =	wrdreg $0xFFFFFFFF  }
0xaf: {  	[dreg:$0x0] =	wrdreg $0x60  }
0xb0: {  	[dreg:$0x2] =	wrdreg s19  }
0xb1: {  	[dreg:$0x3] =	wrdreg s2  }
0xb2: {  	[dreg:$0x4] =	wrdreg s4  }
0xb3: {  	[dreg:$0x5] =	wrdreg $0x9  }
0xb4: {  	_ =	task.clear_ibuf [dreg:s9], $0x6FFFF;
	_ =	strace $0x90000046  }
0xb5: {  	s29 =	simm.s32 $0x9;
	_ =	strace $0x80000048  }
0xb6: {  	_ =	swait.ge [sflag:s29], $0x1  }
0xb7: {  	[sflag:s29] =	ssyncadd.s32 $0xFFFFFFFF  }
0xb8: {  	_ =	strace $0x90000048  }
0xb9: {  	_ =	sfence  }
0xba: {  	s30 =	sld [smem:$0x0];
	_ =	sdelay $0x2  }
0xbb: {  	s31 =	sshll.u32 s1, $0xD;
	s1 =	sshrl.u32 s1, $0x2  }
0xbc: {  	s3 =	sand.u32 $0x4000, s31;
	s1 =	sadd.s32 s1, s30  }
0xbd: {  	s0 =	sor.u32 s3, s0;
	s1 =	sshll.u32 s1, $0x11  }
0xbe: {  	s0 =	sor.u32 s1, s0  }
0xbf: {  	s0 =	sadd.s32 $0x8F2B, s0  }
0xc0: {  	[sflag:s0] =	ssyncadd.remote.s32 $0x1  }
0xc1: {  	_ =	sfence.sel $0xFFFF  }
0xc2: {  	[dreg:$0x0] =	wrdreg $0xFFFFFFFF;
	(pc) =	sbr.abs _section_cstart, $3  }
0xc3: {  	[dreg:$0x1] =	wrdreg $0xFFFFFFFF  }
0xc4: {  	_ =	task.clear_ibuf [dreg:s9], $0x2FFFF;
	_ =	strace $0x9FFFFFFF  }
0xc5: {  	(tm) =	ssettm $0x7FFFFFFF  }
tec
execute0_lowered:
.L_overlay_start_1:
0x0: {  	(tag) =	ssettag $0x1  }
0x1: {  	s1 =	rddreg [dreg:$0x0]  }
0x2: {  	s0 =	rddreg [dreg:$0x1]  }
0x3: {  	s24 =	rddreg [dreg:$0x2];
	s2 =	srdreg.scid  }
0x4: {  	s3 =	stileid.u32;
	s4 =	simm.s32 $0x0;
	s28 =	simm.s32 $0x80  }
0x5: {  	s29 =	simm.s32 $0x1;
	s30 =	simm.s32 $0x1C00;
	s2 =	sand.u32 $0x1, s2  }
0x6: {  	s5 =	sshll.u32 s3, $0x8;
	[smem:$0x7FF] =	sst s4;
	s11 =	sshll.u32 s3, $0xF  }
0x7: {  	s6 =	sshll.u32 s2, $0x7;
	_ =	strace $0x80000047;
	s25 =	ssub.s32 $0x2, s2  }
0x8: {  	s2 =	sshll.u32 s2, $0xE;
	s5 =	sor.u32 s6, s5;
	s8 =	sshrl.u32 s25, $0x1  }
0x9: {  	s2 =	sor.u32 s2, s11;
	s11 =	simm.s32 $0x3;
	s7 =	sshll.u32 s5, $0x4  }
0xa: {  	s5 =	sadd.s32 s0, s5;
	s26 =	ssub.s32 s25, s8;
	s17 =	sor.u32 $0x200000, s2  }
0xb: {  	s20 =	sor.u32 $0x180000, s2;
	s7 =	sadd.s32 s24, s7;
	[dreg:$0x4] =	wrdreg s5  }
0xc: {  	s21 =	sor.u32 $0x100000, s2;
	s0 =	smax.u32 s26, $0x1;
	[dreg:$0x5] =	wrdreg s7  }
0xd: {  	s22 =	sor.u32 $0x380000, s2;
	s26 =	sor.u32 $0x300000, s2;
	[dreg:$0xe] =	wrdreg s0  }
0xe: {  	s8 =	simm.s32 $0x2;
	s31 =	sadd.s32 $0x1000, s5;
	[dreg:$0x14] =	wrdreg s26  }
0xf: {  	s5 =	sor.u32 $0x280000, s2;
	s9 =	sadd.s32 $0x10000, s7;
	[dreg:$0x6] =	wrdreg s31  }
0x10: {  	s19 =	sshrl.u32 s17, $0x3;
	s10 =	sadd.s32 $0x2C0000, s7;
	[dreg:$0x7] =	wrdreg s9  }
0x11: {  	s25 =	sshrl.u32 s22, $0x3;
	s12 =	sadd.s32 $0x2D0000, s7;
	[dreg:$0x8] =	wrdreg s10  }
0x12: {  	s2 =	simm.s32 $0x15C00;
	s13 =	sadd.s32 $0x2E0000, s7;
	[dreg:$0x9] =	wrdreg s12  }
0x13: {  	s14 =	sadd.s32 $0x2F0000, s7;
	s15 =	sadd.s32 $0x300000, s7;
	[dreg:$0xa] =	wrdreg s13  }
0x14: {  	s16 =	sadd.s32 $0x310000, s7;
	s5 =	sshrl.u32 s5, $0x3;
	[dreg:$0xb] =	wrdreg s14  }
0x15: {  	s0 =	sadd.s32 s19, s24;
	s31 =	sadd.s32 $0x5000, s31;
	[dreg:$0xc] =	wrdreg s15  }
0x16: {  	s7 =	simm.s32 $0x5;
	s26 =	simm.s32 $0xB;
	[dreg:$0xd] =	wrdreg s16  }
0x17: {  	s18 =	sadd.s32 s5, s24;
	[dreg:$0x10] =	wrdreg s0;
	s0 =	sshrl.u32 s20, $0x3  }
0x18: {  	s5 =	sshrl.u32 s21, $0x3;
	[dreg:$0x15] =	wrdreg s31;
	s16 =	simm.s32 $0x1800  }
0x19: {  	s10 =	simm.s32 $0x7;
	s12 =	simm.s32 $0x4;
	s13 =	simm.s32 $0x9  }
0x1a: {  	s14 =	simm.s32 $0xA;
	[dreg:$0xf] =	wrdreg s18;
	s0 =	sadd.s32 s0, s24  }
0x1b: {  	s15 =	simm.s32 $0x6;
	s23 =	sadd.s32 s5, s24;
	[dreg:$0x11] =	wrdreg s0  }
0x1c: {  	s5 =	simm.s32 $0x8;
	[dreg:$0x12] =	wrdreg s23;
	s0 =	sadd.s32 s25, s24  }
0x1d: {  	s25 =	simm.s32 $0xC;
	[dreg:$0x13] =	wrdreg s0;
	s0 =	simm.s32 $0x0  }
.LBB2_1:
0x1e: {  	[dreg:$0x16] =	wrdreg s0  }
0x1f: {  	s3 =	rddreg [dreg:$0x4];
	s21 =	simm.s32 $0xE  }
0x20: {  	[tilespmem:s4], [sflag:$0xE] =	stream.linear.gather [hbm4b:s3+s4], $0x400, $0x38;
	[tilespmem:$0x19C00] =	vst v63  }
0x21: {  	_ =	swait.ge [sflag:s21], $0x400  }
0x22: {  	s6 =	simm.s32 $0x8000;
	[sflag:s21] =	ssyncset.done $0x0  }
0x23: {  	s9 =	simm.s32 $0x400;
	s22 =	rddreg [dreg:$0x6];
	[sflag:s21] =	ssyncadd.s32 $0xFFFFFC00  }
0x24: {  	[tilespmem:s9], [sflag:$0xD] =	stream.strided.gather [hbm4b:s22+s9], $0x1400, s6, s9, $0x38;
	[tilespmem:$0x19C00] =	vst v63  }
0x25: {  	s23 =	rddreg [dreg:$0x15]  }
0x26: {  	[tilespmem:s16], [sflag:$0xD] =	stream.linear.gather [hbm4b:s23+s4], $0x100, $0x38;
	[tilespmem:$0x19C00] =	vst v63  }
0x27: {  	s9 =	simm.s32 $0x1C00  }
0x28: {  	[tilespmem:s9], [sflag:$0x1] =	stream.indirect.gather [hbm4b:s1+s28], $0x80, s4, s28, $0xb8;
	[tilespmem:$0x19C00] =	vst v63  }
0x29: {  	s16 =	simm.s32 $0x5C00  }
0x2a: {  	[tilespmem:s16], [sflag:$0x2] =	stream.indirect.gather [hbm4b:s1+s28], $0x80, s28, s28, $0xb8;
	[tilespmem:$0x19C00] =	vst v63  }
0x2b: {  	s31 =	simm.s32 $0x100;
	s19 =	simm.s32 $0x9C00  }
0x2c: {  	[tilespmem:s19], [sflag:$0x3] =	stream.indirect.gather [hbm4b:s1+s28], $0x80, s31, s28, $0xb8;
	[tilespmem:$0x19C00] =	vst v63  }
0x2d: {  	s3 =	simm.s32 $0x180;
	s21 =	simm.s32 $0xDC00  }
0x2e: {  	[tilespmem:s21], [sflag:$0x4] =	stream.indirect.gather [hbm4b:s1+s28], $0x80, s3, s28, $0xb8;
	[tilespmem:$0x19C00] =	vst v63  }
0x2f: {  	s6 =	simm.s32 $0x200;
	s22 =	simm.s32 $0x11C00  }
0x30: {  	[tilespmem:s22], [sflag:$0x5] =	stream.indirect.gather [hbm4b:s1+s28], $0x80, s6, s28, $0xb8;
	[tilespmem:$0x19C00] =	vst v63  }
0x31: {  	_ =	swait.ge [sflag:s29], $0x4000  }
0x32: {  	[sflag:s29] =	ssyncset.done $0x0  }
0x33: {  	s17 =	rddreg [dreg:$0x5];
	[sflag:s29] =	ssyncadd.s32 $0xFFFFC000  }
0x34: {  	[hbm4b:s17+s4] =	stream.linear.scatter [tilespmem:s9], [sflag:$0x7], $0x4000, $0x38;
	[tilespmem:$0x19C00] =	vst v63  }
0x35: {  	s18 =	simm.s32 $0x280;
	s23 =	simm.s32 $0x15C00  }
0x36: {  	[tilespmem:s23], [sflag:$0x6] =	stream.indirect.gather [hbm4b:s1+s28], $0x80, s18, s28, $0xb8;
	[tilespmem:$0x19C00] =	vst v63  }
0x37: {  	_ =	swait.ge [sflag:s8], $0x4000  }
0x38: {  	[sflag:s8] =	ssyncset.done $0x0  }
0x39: {  	s31 =	simm.s32 $0xD;
	s20 =	rddreg [dreg:$0x7];
	[sflag:s8] =	ssyncadd.s32 $0xFFFFC000  }
0x3a: {  	[hbm4b:s20+s4] =	stream.linear.scatter [tilespmem:s16], [sflag:$0x8], $0x4000, $0x38;
	[tilespmem:$0x19C00] =	vst v63  }
0x3b: {  	_ =	swait.ge [sflag:s31], $0x1500  }
0x3c: {  	[sflag:s31] =	ssyncset.done $0x0  }
0x3d: {  	[sflag:s31] =	ssyncadd.s32 $0xFFFFEB00  }
0x3e: {  	_ =	swait.ge [sflag:s10], $0x4000  }
0x3f: {  	[sflag:s10] =	ssyncset.done $0x0  }
0x40: {  	s3 =	simm.s32 $0x300;
	[sflag:s10] =	ssyncadd.s32 $0xFFFFC000  }
0x41: {  	[tilespmem:s9], [sflag:$0x1] =	stream.indirect.gather [hbm4b:s1+s28], $0x80, s3, s28, $0xb8;
	[tilespmem:$0x19C00] =	vst v63  }
0x42: {  	_ =	swait.ge [sflag:s11], $0x4000  }
0x43: {  	[sflag:s11] =	ssyncset.done $0x0  }
0x44: {  	s18 =	rddreg [dreg:$0x12];
	[sflag:s11] =	ssyncadd.s32 $0xFFFFC000  }
0x45: {  	[hbm4b:s18+s4] =	stream.linear.scatter [tilespmem:s19], [sflag:$0x9], $0x4000, $0x38;
	[tilespmem:$0x19C00] =	vst v63  }
0x46: {  	_ =	swait.ge [sflag:s5], $0x4000  }
0x47: {  	[sflag:s5] =	ssyncset.done $0x0  }
0x48: {  	s17 =	simm.s32 $0x380;
	[sflag:s5] =	ssyncadd.s32 $0xFFFFC000  }
0x49: {  	[tilespmem:s16], [sflag:$0x2] =	stream.indirect.gather [hbm4b:s1+s28], $0x80, s17, s28, $0xb8;
	[tilespmem:$0x19C00] =	vst v63  }
0x4a: {  	_ =	swait.ge [sflag:s12], $0x4000  }
0x4b: {  	[sflag:s12] =	ssyncset.done $0x0  }
0x4c: {  	s17 =	rddreg [dreg:$0x11];
	[sflag:s12] =	ssyncadd.s32 $0xFFFFC000  }
0x4d: {  	[hbm4b:s17+s4] =	stream.linear.scatter [tilespmem:s21], [sflag:$0xA], $0x4000, $0x38;
	[tilespmem:$0x19C00] =	vst v63  }
0x4e: {  	_ =	swait.ge [sflag:s13], $0x4000  }
0x4f: {  	[sflag:s13] =	ssyncset.done $0x0  }
0x50: {  	s20 =	simm.s32 $0x400;
	[sflag:s13] =	ssyncadd.s32 $0xFFFFC000  }
0x51: {  	[tilespmem:s19], [sflag:$0x3] =	stream.indirect.gather [hbm4b:s1+s28], $0x80, s20, s28, $0xb8;
	[tilespmem:$0x19C00] =	vst v63  }
0x52: {  	_ =	swait.ge [sflag:s7], $0x4000  }
0x53: {  	[sflag:s7] =	ssyncset.done $0x0  }
0x54: {  	s20 =	rddreg [dreg:$0x10];
	[sflag:s7] =	ssyncadd.s32 $0xFFFFC000  }
0x55: {  	[hbm4b:s20+s4] =	stream.linear.scatter [tilespmem:s22], [sflag:$0xB], $0x4000, $0x38;
	[tilespmem:$0x19C00] =	vst v63  }
0x56: {  	_ =	swait.ge [sflag:s14], $0x4000  }
0x57: {  	[sflag:s14] =	ssyncset.done $0x0  }
0x58: {  	s31 =	simm.s32 $0x480;
	[sflag:s14] =	ssyncadd.s32 $0xFFFFC000  }
0x59: {  	[tilespmem:s21], [sflag:$0x4] =	stream.indirect.gather [hbm4b:s1+s28], $0x80, s31, s28, $0xb8;
	[tilespmem:$0x19C00] =	vst v63  }
0x5a: {  	_ =	swait.ge [sflag:s15], $0x4000  }
0x5b: {  	[sflag:s15] =	ssyncset.done $0x0  }
0x5c: {  	s0 =	rddreg [dreg:$0xf];
	[sflag:s15] =	ssyncadd.s32 $0xFFFFC000  }
0x5d: {  	[hbm4b:s0+s4] =	stream.linear.scatter [tilespmem:s23], [sflag:$0xC], $0x4000, $0x38;
	[tilespmem:$0x19C00] =	vst v63  }
0x5e: {  	_ =	swait.ge [sflag:s26], $0x4000  }
0x5f: {  	[sflag:s26] =	ssyncset.done $0x0  }
0x60: {  	s19 =	simm.s32 $0x500;
	[sflag:s26] =	ssyncadd.s32 $0xFFFFC000  }
0x61: {  	[tilespmem:s22], [sflag:$0x5] =	stream.indirect.gather [hbm4b:s1+s28], $0x80, s19, s28, $0xb8;
	[tilespmem:$0x19C00] =	vst v63  }
0x62: {  	_ =	swait.ge [sflag:s29], $0x4000  }
0x63: {  	s21 =	rddreg [dreg:$0x14]  }
0x64: {  	[sflag:s29] =	ssyncset.done $0x0;
	s22 =	sshrl.u32 s21, $0x3  }
0x65: {  	[sflag:s29] =	ssyncadd.s32 $0xFFFFC000;
	s6 =	sadd.s32 s24, s22  }
0x66: {  	[hbm4b:s6+s4] =	stream.linear.scatter [tilespmem:s9], [sflag:$0x7], $0x4000, $0x38;
	[tilespmem:$0x19C00] =	vst v63  }
0x67: {  	_ =	swait.ge [sflag:s25], $0x4000  }
0x68: {  	s18 =	sadd.s32 $0x60000, s18;
	s17 =	sadd.s32 $0x60000, s17;
	[sflag:s25] =	ssyncset.done $0x0  }
0x69: {  	s19 =	sadd.s32 $0x60000, s0;
	s24 =	simm.s32 $0x580;
	[sflag:s25] =	ssyncadd.s32 $0xFFFFC000  }
0x6a: {  	[tilespmem:s23], [sflag:$0x6] =	stream.indirect.gather [hbm4b:s1+s28], $0x80, s24, s28, $0xb8;
	[tilespmem:$0x19C00] =	vst v63  }
0x6b: {  	s16 =	sadd.s32 $0x300000, s21;
	s21 =	sadd.s32 $0x60000, s20;
	_ =	swait.ge [sflag:s8], $0x4000  }
0x6c: {  	s22 =	simm.s32 $0xC00;
	s31 =	rddreg [dreg:$0x13];
	[sflag:s8] =	ssyncset.done $0x0  }
0x6d: {  	s9 =	sadd.s32 $0x60000, s31;
	[sflag:s8] =	ssyncadd.s32 $0xFFFFC000;
	s20 =	smov.u32 s31  }
.LBB2_2:
0x6e: {  	s0 =	simm.s32 $0x5C00  }
0x6f: {  	[hbm4b:s20+s4] =	stream.linear.scatter [tilespmem:s0], [sflag:$0x8], $0x4000, $0x38;
	[tilespmem:$0x19C00] =	vst v63  }
0x70: {  	s6 =	smov.u32 s22;
	_ =	swait.ge [sflag:s10], $0x4000  }
0x71: {  	s6 =	sshra.s32 s6, $0x2;
	[sflag:s10] =	ssyncset.done $0x0  }
0x72: {  	s3 =	sadd.s32 $0x300, s6;
	[sflag:s10] =	ssyncadd.s32 $0xFFFFC000  }
0x73: {  	[tilespmem:s30], [sflag:$0x1] =	stream.indirect.gather [hbm4b:s1+s28], $0x80, s3, s28, $0xb8;
	[tilespmem:$0x19C00] =	vst v63  }
0x74: {  	_ =	swait.ge [sflag:s11], $0x4000  }
0x75: {  	[sflag:s11] =	ssyncset.done $0x0  }
0x76: {  	s23 =	simm.s32 $0x9C00;
	[sflag:s11] =	ssyncadd.s32 $0xFFFFC000  }
0x77: {  	[hbm4b:s18+s4] =	stream.linear.scatter [tilespmem:s23], [sflag:$0x9], $0x4000, $0x38;
	[tilespmem:$0x19C00] =	vst v63  }
0x78: {  	_ =	swait.ge [sflag:s5], $0x4000  }
0x79: {  	[sflag:s5] =	ssyncset.done $0x0  }
0x7a: {  	s24 =	sadd.s32 $0x380, s6;
	[sflag:s5] =	ssyncadd.s32 $0xFFFFC000  }
0x7b: {  	[tilespmem:s0], [sflag:$0x2] =	stream.indirect.gather [hbm4b:s1+s28], $0x80, s24, s28, $0xb8;
	[tilespmem:$0x19C00] =	vst v63  }
0x7c: {  	_ =	swait.ge [sflag:s12], $0x4000  }
0x7d: {  	[sflag:s12] =	ssyncset.done $0x0  }
0x7e: {  	s31 =	simm.s32 $0xDC00;
	[sflag:s12] =	ssyncadd.s32 $0xFFFFC000  }
0x7f: {  	[hbm4b:s17+s4] =	stream.linear.scatter [tilespmem:s31], [sflag:$0xA], $0x4000, $0x38;
	[tilespmem:$0x19C00] =	vst v63  }
0x80: {  	_ =	swait.ge [sflag:s13], $0x4000  }
0x81: {  	[sflag:s13] =	ssyncset.done $0x0  }
0x82: {  	s24 =	sadd.s32 $0x400, s6;
	[sflag:s13] =	ssyncadd.s32 $0xFFFFC000  }
0x83: {  	[tilespmem:s23], [sflag:$0x3] =	stream.indirect.gather [hbm4b:s1+s28], $0x80, s24, s28, $0xb8;
	[tilespmem:$0x19C00] =	vst v63  }
0x84: {  	_ =	swait.ge [sflag:s7], $0x4000  }
0x85: {  	[sflag:s7] =	ssyncset.done $0x0  }
0x86: {  	s24 =	simm.s32 $0x11C00;
	[sflag:s7] =	ssyncadd.s32 $0xFFFFC000  }
0x87: {  	[hbm4b:s21+s4] =	stream.linear.scatter [tilespmem:s24], [sflag:$0xB], $0x4000, $0x38;
	[tilespmem:$0x19C00] =	vst v63  }
0x88: {  	_ =	swait.ge [sflag:s14], $0x4000  }
0x89: {  	[sflag:s14] =	ssyncset.done $0x0  }
0x8a: {  	s3 =	sadd.s32 $0x480, s6;
	[sflag:s14] =	ssyncadd.s32 $0xFFFFC000  }
0x8b: {  	[tilespmem:s31], [sflag:$0x4] =	stream.indirect.gather [hbm4b:s1+s28], $0x80, s3, s28, $0xb8;
	[tilespmem:$0x19C00] =	vst v63  }
0x8c: {  	_ =	swait.ge [sflag:s15], $0x4000  }
0x8d: {  	[sflag:s15] =	ssyncset.done $0x0  }
0x8e: {  	[sflag:s15] =	ssyncadd.s32 $0xFFFFC000  }
0x8f: {  	[hbm4b:s19+s4] =	stream.linear.scatter [tilespmem:s2], [sflag:$0xC], $0x4000, $0x38;
	[tilespmem:$0x19C00] =	vst v63  }
0x90: {  	_ =	swait.ge [sflag:s26], $0x4000  }
0x91: {  	[sflag:s26] =	ssyncset.done $0x0  }
0x92: {  	s3 =	sadd.s32 $0x500, s6;
	[sflag:s26] =	ssyncadd.s32 $0xFFFFC000  }
0x93: {  	[tilespmem:s24], [sflag:$0x5] =	stream.indirect.gather [hbm4b:s1+s28], $0x80, s3, s28, $0xb8;
	[tilespmem:$0x19C00] =	vst v63  }
0x94: {  	_ =	swait.ge [sflag:s29], $0x4000  }
0x95: {  	[sflag:s29] =	ssyncset.done $0x0  }
0x96: {  	[sflag:s29] =	ssyncadd.s32 $0xFFFFC000  }
0x97: {  	p0 =	sne.s32 s22, $0x4800;
	s3 =	sshrl.u32 s16, $0x3;
	s24 =	rddreg [dreg:$0x2]  }
0x98: {  	s22 =	sadd.s32 $0xC00, s22;
	s20 =	smov.u32 s9;
	s3 =	sadd.s32 s24, s3  }
0x99: {  	[hbm4b:s3+s4] =	stream.linear.scatter [tilespmem:s30], [sflag:$0x7], $0x4000, $0x38;
	[tilespmem:$0x19C00] =	vst v63  }
0x9a: {  	s9 =	sadd.s32 $0x60000, s9;
	s18 =	sadd.s32 $0x60000, s18;
	_ =	swait.ge [sflag:s25], $0x4000  }
0x9b: {  	s0 =	simm.s32 $0x9C00;
	s17 =	sadd.s32 $0x60000, s17;
	[sflag:s25] =	ssyncset.done $0x0  }
.Ltmp0:
0x9c: {  	s6 =	sadd.s32 $0x580, s6;
	[sflag:s25] =	ssyncadd.s32 $0xFFFFC000;
	(pc) =	sbr.rel @p0 .LBB2_2-.Ltmp0, $4  }
0x9d: {  	[tilespmem:s2], [sflag:$0x6] =	stream.indirect.gather [hbm4b:s1+s28], $0x80, s6, s28, $0xb8;
	[tilespmem:$0x19C00] =	vst v63  }
0x9e: {  	s23 =	simm.s32 $0xDC00;
	s21 =	sadd.s32 $0x60000, s21;
	_ =	swait.ge [sflag:s8], $0x4000  }
0x9f: {  	s31 =	simm.s32 $0x11C00;
	s19 =	sadd.s32 $0x60000, s19;
	[sflag:s8] =	ssyncset.done $0x0  }
0xa0: {  	s16 =	sadd.s32 $0x300000, s16;
	s24 =	simm.s32 $0x15C00;
	[sflag:s8] =	ssyncadd.s32 $0xFFFFC000  }
0xa1: {  	s9 =	simm.s32 $0x5C00  }
0xa2: {  	[hbm4b:s20+s4] =	stream.linear.scatter [tilespmem:s9], [sflag:$0x8], $0x4000, $0x38;
	[tilespmem:$0x19C00] =	vst v63  }
0xa3: {  	_ =	swait.ge [sflag:s10], $0x4000  }
0xa4: {  	[sflag:s10] =	ssyncset.done $0x0  }
0xa5: {  	s16 =	simm.s32 $0x1800;
	s6 =	simm.s32 $0x1C00;
	[sflag:s10] =	ssyncadd.s32 $0xFFFFC000  }
0xa6: {  	[tilespmem:s6], [sflag:$0x1] =	stream.indirect.gather [hbm4b:s1+s28], $0x80, s16, s28, $0xb8;
	[tilespmem:$0x19C00] =	vst v63  }
0xa7: {  	_ =	swait.ge [sflag:s11], $0x4000  }
0xa8: {  	[sflag:s11] =	ssyncset.done $0x0  }
0xa9: {  	s3 =	rddreg [dreg:$0x8];
	[sflag:s11] =	ssyncadd.s32 $0xFFFFC000  }
0xaa: {  	[hbm4b:s3+s4] =	stream.linear.scatter [tilespmem:s0], [sflag:$0x9], $0x4000, $0x38;
	[tilespmem:$0x19C00] =	vst v63  }
0xab: {  	_ =	swait.ge [sflag:s5], $0x4000  }
0xac: {  	[sflag:s5] =	ssyncset.done $0x0  }
0xad: {  	s18 =	simm.s32 $0x1880;
	[sflag:s5] =	ssyncadd.s32 $0xFFFFC000  }
0xae: {  	[tilespmem:s9], [sflag:$0x2] =	stream.indirect.gather [hbm4b:s1+s28], $0x80, s18, s28, $0xb8;
	[tilespmem:$0x19C00] =	vst v63  }
0xaf: {  	_ =	swait.ge [sflag:s12], $0x4000  }
0xb0: {  	[sflag:s12] =	ssyncset.done $0x0  }
0xb1: {  	s19 =	rddreg [dreg:$0x9];
	[sflag:s12] =	ssyncadd.s32 $0xFFFFC000  }
0xb2: {  	[hbm4b:s19+s4] =	stream.linear.scatter [tilespmem:s23], [sflag:$0xA], $0x4000, $0x38;
	[tilespmem:$0x19C00] =	vst v63  }
0xb3: {  	_ =	swait.ge [sflag:s7], $0x4000  }
0xb4: {  	[sflag:s7] =	ssyncset.done $0x0  }
0xb5: {  	s20 =	rddreg [dreg:$0xa];
	[sflag:s7] =	ssyncadd.s32 $0xFFFFC000  }
0xb6: {  	[hbm4b:s20+s4] =	stream.linear.scatter [tilespmem:s31], [sflag:$0xB], $0x4000, $0x38;
	[tilespmem:$0x19C00] =	vst v63  }
0xb7: {  	_ =	swait.ge [sflag:s15], $0x4000  }
0xb8: {  	[sflag:s15] =	ssyncset.done $0x0  }
0xb9: {  	s21 =	rddreg [dreg:$0xb];
	[sflag:s15] =	ssyncadd.s32 $0xFFFFC000  }
0xba: {  	[hbm4b:s21+s4] =	stream.linear.scatter [tilespmem:s24], [sflag:$0xC], $0x4000, $0x38;
	[tilespmem:$0x19C00] =	vst v63  }
0xbb: {  	_ =	swait.ge [sflag:s29], $0x4000  }
0xbc: {  	[sflag:s29] =	ssyncset.done $0x0  }
0xbd: {  	s22 =	rddreg [dreg:$0xc];
	[sflag:s29] =	ssyncadd.s32 $0xFFFFC000  }
0xbe: {  	[hbm4b:s22+s4] =	stream.linear.scatter [tilespmem:s6], [sflag:$0x7], $0x4000, $0x38;
	[tilespmem:$0x19C00] =	vst v63  }
0xbf: {  	_ =	swait.ge [sflag:s8], $0x4000  }
0xc0: {  	[sflag:s8] =	ssyncset.done $0x0  }
0xc1: {  	s23 =	rddreg [dreg:$0xd];
	[sflag:s8] =	ssyncadd.s32 $0xFFFFC000  }
0xc2: {  	[hbm4b:s23+s4] =	stream.linear.scatter [tilespmem:s9], [sflag:$0x8], $0x4000, $0x38;
	[tilespmem:$0x19C00] =	vst v63  }
0xc3: {  	_ =	swait.ge [sflag:s10], $0x4000  }
0xc4: {  	[sflag:s10] =	ssyncset.done $0x0  }
0xc5: {  	[sflag:s10] =	ssyncadd.s32 $0xFFFFC000  }
0xc6: {  	_ =	swait.ge [sflag:s5], $0x4000  }
0xc7: {  	[sflag:s5] =	ssyncset.done $0x0  }
0xc8: {  	[sflag:s5] =	ssyncadd.s32 $0xFFFFC000  }
0xc9: {  	_ =	swait.ge [sflag:s13], $0x4000  }
0xca: {  	[sflag:s13] =	ssyncset.done $0x0  }
0xcb: {  	[sflag:s13] =	ssyncadd.s32 $0xFFFFC000  }
0xcc: {  	_ =	swait.ge [sflag:s14], $0x4000  }
0xcd: {  	[sflag:s14] =	ssyncset.done $0x0  }
0xce: {  	[sflag:s14] =	ssyncadd.s32 $0xFFFFC000  }
0xcf: {  	_ =	swait.ge [sflag:s26], $0x4000  }
0xd0: {  	[sflag:s26] =	ssyncset.done $0x0  }
0xd1: {  	[sflag:s26] =	ssyncadd.s32 $0xFFFFC000  }
0xd2: {  	_ =	swait.ge [sflag:s25], $0x4000  }
0xd3: {  	s24 =	rddreg [dreg:$0x16]  }
0xd4: {  	s31 =	rddreg [dreg:$0xe];
	s0 =	sadd.s32 $0x1, s24  }
0xd5: {  	p0 =	sne.s32 s0, s31  }
.Ltmp1:
0xd6: {  	_ = 	snop;
	(pc) =	sbr.rel @p0 .LBB2_1-.Ltmp1, $4  }
0xd7: {  	_ = 	snop  }
0xd8: {  	[sflag:s25] =	ssyncset.done $0x0  }
0xd9: {  	[sflag:s25] =	ssyncadd.s32 $0xFFFFC000  }
0xda: {  	s24 =	rddreg [dreg:$0x2]  }
0xdb: {  	_ =	sfence.sel $0x180000  }
0xdc: {  	[bflag:$0x0] =	sbarrier.arrive $0xFFFF  }
0xdd: {  	_ =	strace $0x90000047  }
0xde: {  	s0 =	stileid.u32;
	[bflag:$0x2] =	sbarrier.arrive $0xFFFF  }
0xdf: {  	p0 =	sne.s32 s0, $0x0;
	s0 =	rddreg [dreg:$0x3]  }
0xe0: {  	s0 =	sadd.s32 @!p0 $0x100000, s0  }
0xe1: {  	[sflag:s0] =	ssyncadd.tile.s32 @!p0 $0x1;
	_ =	shalt  }
.Lfunc_end2:
_tile_overlayer_lowered:
.L_overlay_start_2:
0xe2: {  	(tag) =	ssettag $0x2  }
0xe3: {  	s0 =	rddreg [dreg:$0x0];
	s2 =	stileid.u32  }
0xe4: {  	s1 =	rddreg [dreg:$0x1];
	p0 =	sne.s32 s2, $0x0  }
0xe5: {  	s3 =	rddreg [dreg:$0x2];
	[bflag:$0x3] =	sbarrier.arrive $0xFFFF;
	s2 =	simm.s32 @!p0 $0x1C0E  }
0xe6: {  	[timem:s3], [sflag:s2] =	dma.local @!p0 [hbm:s0], s1  }
0xe7: {  	s0 =	simm.s32 @!p0 $0xE  }
0xe8: {  	_ =	swait.ge @!p0 [sflag:s0], s1  }
0xe9: {  	s1 =	ssub.s32 @!p0 $0x0, s1;
	[sflag:s0] =	ssyncset.done @!p0 $0x0  }
0xea: {  	[sflag:s0] =	ssyncadd.s32 @!p0 s1  }
0xeb: {  	[bflag:$0x3] =	sbarrier.arrive $0xFFFF  }
0xec: {  	_ =	shalt  }

</sc_bundles>
